<compile_context>
chip_gen: v7x
topology: tpu7x:2x2x1
jax: 0.10.2.dev20260603
libtpu: 0.0.44.dev20260713+nightly
codegen_flags: <defaults>
</compile_context>

<pallas_src>
import functools

import jax
import jax.numpy as jnp
from jax import lax
from jax.experimental import pallas as pl
from jax.experimental.pallas import tpu as pltpu
from jax.experimental.pallas import tpu_sc as plsc

_NBINS = 16
_NC, _NS, _L = 2, 16, 16
_NW = _NC * _NS
_CROWS = 8
_UNROLL = 8


def _pwla_call(nrows, ncols):
    rows_per_w = nrows // _NW
    n_chunks = rows_per_w // _CROWS
    ch = _CROWS * ncols

    mesh = plsc.VectorSubcoreMesh(
        core_axis_name="c", subcore_axis_name="s",
        num_cores=_NC, num_subcores=_NS)

    @functools.partial(
        pl.kernel,
        out_type=jax.ShapeDtypeStruct((nrows, ncols), jnp.float32),
        mesh=mesh,
        compiler_params=pltpu.CompilerParams(needs_layout_passes=False),
        scratch_types=[
            pltpu.VMEM((_CROWS, ncols), jnp.float32),
            pltpu.VMEM((_CROWS, ncols), jnp.float32),
            pltpu.VMEM((_CROWS, ncols), jnp.float32),
            pltpu.VMEM((_CROWS, ncols), jnp.float32),
            pltpu.VMEM((96,), jnp.float32),
            pltpu.SemaphoreType.DMA,
            pltpu.SemaphoreType.DMA,
            pltpu.SemaphoreType.DMA,
            pltpu.SemaphoreType.DMA,
        ],
    )
    def k(x_hbm, tab_hbm, out_hbm,
          xin0, xin1, yout0, yout1, tab_v,
          isem0, isem1, osem0, osem1):
        wid = lax.axis_index("s") * _NC + lax.axis_index("c")
        base_row = wid * rows_per_w

        xbufs = (xin0, xin1)
        ybufs = (yout0, yout1)
        isems = (isem0, isem1)
        osems = (osem0, osem1)

        def in_copy(c, b):
            return pltpu.make_async_copy(
                x_hbm.at[pl.ds(base_row + c * _CROWS, _CROWS), :],
                xbufs[b], isems[b])

        def out_copy(c, b):
            return pltpu.make_async_copy(
                ybufs[b],
                out_hbm.at[pl.ds(base_row + c * _CROWS, _CROWS), :],
                osems[b])

        col_shift = ncols.bit_length() - 1

        def compute(b, scale, shift):
            xin_v = xbufs[b]
            yout_v = ybufs[b]

            @plsc.parallel_loop(0, ch, step=_L, unroll=_UNROLL)
            def vbody(off):
                r = lax.shift_right_logical(off, col_shift)
                col = lax.bitwise_and(off, ncols - 1)
                xv = xin_v[r, pl.ds(col, _L)]
                t = jnp.minimum(
                    jnp.maximum(xv * scale + shift, 0.0),
                    float(_NBINS + 1))
                i = t.astype(jnp.int32)
                av = plsc.load_gather(tab_v.at[pl.ds(0, 32)], [i])
                kv = plsc.load_gather(tab_v.at[pl.ds(32, 32)], [i])
                yout_v[r, pl.ds(col, _L)] = av + xv * kv

        in_copy(0, 0).start()
        in_copy(1, 1).start()
        pltpu.sync_copy(tab_hbm, tab_v)
        scale = tab_v[pl.ds(64, _L)]
        shift = tab_v[pl.ds(80, _L)]
        compute = functools.partial(compute, scale=scale, shift=shift)
        for b in range(2):
            in_copy(b, b).wait()
            compute(b)
            out_copy(b, b).start()
            in_copy(b + 2, b).start()

        def pair(p, carry):
            for b in range(2):
                c = 2 * p + b
                in_copy(c, b).wait()
                out_copy(c - 2, b).wait()
                compute(b)
                out_copy(c, b).start()
                in_copy(c + 2, b).start()
            return carry

        lax.fori_loop(1, n_chunks // 2 - 1, pair, 0)

        for b in range(2):
            c = n_chunks - 2 + b
            in_copy(c, b).wait()
            out_copy(c - 2, b).wait()
            compute(b)
            out_copy(c, b).start()
        for b in range(2):
            out_copy(n_chunks - 2 + b, b).wait()

    return k


def kernel(x, mode, Br, Bl, Kl, Kr, Yidx):
    del mode
    orig_shape = x.shape
    ncols = x.shape[-1]
    x2 = x.reshape(-1, ncols)
    nrows = x2.shape[0]

    f32 = jnp.float32
    Br = Br.astype(f32)
    Bl = Bl.astype(f32)
    inv_d = _NBINS / (Br - Bl)
    d = (Br - Bl) / _NBINS

    j = jnp.arange(_NBINS, dtype=f32)
    k_in = (Yidx[1:] - Yidx[:-1]) * inv_d
    b_j = Bl + j * d
    a_in = Yidx[:-1] - b_j * k_in
    k_full = jnp.concatenate(
        [Kl[None].astype(f32), k_in, Kr[None].astype(f32)])
    a_full = jnp.concatenate(
        [(Yidx[0] - Bl * Kl)[None], a_in, (Yidx[-1] - Br * Kr)[None]])
    tab = jnp.zeros((96,), f32)
    tab = tab.at[: _NBINS + 2].set(a_full)
    tab = tab.at[32 : 32 + _NBINS + 2].set(k_full)
    tab = tab.at[64:80].set(jnp.full((_L,), inv_d, f32))
    tab = tab.at[80:96].set(jnp.full((_L,), 1.0 - Bl * inv_d, f32))

    out = _pwla_call(nrows, ncols)(x2, tab)
    return out.reshape(orig_shape)

# --- scband reference (transcript-rebuilt; emitter-appended) ---
"""Pipeline reference for scband-pwla1d-24902220382836 (READ-ONLY COPY).

The authoritative reference and input builder live on the scoring server;
editing this copy changes nothing except your own understanding.
"""

import jax, jax.numpy as jnp
import numpy as np

N = 16

def setup_inputs(seed: int = 0) -> dict:
    key = jax.random.key(seed)
    kx, _ = jax.random.split(key)
    x = jax.random.normal(kx, (2, 4096, 2048), dtype=jnp.float32)
    Br = jnp.asarray(10.0, dtype=jnp.float32)
    Bl = jnp.asarray(-10.0, dtype=jnp.float32)
    Kl = jnp.asarray(0.0, dtype=jnp.float32)
    Kr = jnp.asarray(1.0, dtype=jnp.float32)
    Yidx = jax.nn.relu(jnp.linspace(-10.0, 10.0, N + 1).astype(jnp.float32))
    return {"x": x, "mode": 1, "Br": Br, "Bl": Bl, "Kl": Kl, "Kr": Kr, "Yidx": Yidx}

def reference(x, mode, Br, Bl, Kl, Kr, Yidx):
    # mode == 1 path of PWLA1d.forward (piecewise-linear activation with bin lookup)
    d = (Br - Bl) / N
    DATAind = jax.lax.stop_gradient(jnp.clip(jnp.floor((x - Bl) / d), 0, N - 1))
    idx = DATAind.astype(jnp.int32)
    Bdata = Bl + DATAind * d
    maskBl = (x < Bl).astype(x.dtype)
    maskBr = (x >= Br).astype(x.dtype)
    maskOther = jnp.logical_not(jnp.logical_or(x < Bl, x >= Br)).astype(x.dtype)
    Ydata = jnp.take(Yidx, idx)
    Ynext = jnp.take(Yidx, idx + 1)
    Kdata = (Ynext - Ydata) / d
    out = (maskBl * ((x - Bl) * Kl + Yidx[0])
           + maskBr * ((x - Br) * Kr + Yidx[-1])
           + maskOther * ((x - Bdata) * Kdata + Ydata))
    return out

if __name__ == "__main__":
    import jax
    _d = setup_inputs()
    print(jax.jit(kernel)(*tuple(_d.values())))

</pallas_src>

<mosaic_0001>
#map = affine_map<(d0, d1) -> (0, 0)>
#map1 = affine_map<(d0, d1) -> (0)>
module attributes {stable_mosaic.version = 14 : i64} {
  func.func @k(%arg0: i32, %arg1: i32, %arg2: memref<8192x2048xf32, #tpu.memory_space<hbm>>, %arg3: memref<96xf32, #tpu.memory_space<hbm>>, %arg4: memref<8192x2048xf32, #tpu.memory_space<hbm>>, %arg5: memref<8x2048xf32, #tpu.memory_space<vmem>>, %arg6: memref<8x2048xf32, #tpu.memory_space<vmem>>, %arg7: memref<8x2048xf32, #tpu.memory_space<vmem>>, %arg8: memref<8x2048xf32, #tpu.memory_space<vmem>>, %arg9: memref<96xf32, #tpu.memory_space<vmem>>, %arg10: memref<!tpu.dma_semaphore, #tpu.memory_space<semaphore_mem>>, %arg11: memref<!tpu.dma_semaphore, #tpu.memory_space<semaphore_mem>>, %arg12: memref<!tpu.dma_semaphore, #tpu.memory_space<semaphore_mem>>, %arg13: memref<!tpu.dma_semaphore, #tpu.memory_space<semaphore_mem>>) attributes {dimension_semantics = [#tpu.dimension_semantics<core_parallel>, #tpu.dimension_semantics<subcore_parallel>], iteration_bounds = array<i64: 2, 16>, scalar_prefetch = 0 : i64, scratch_operands = 9 : i64, tpu.core_type = #tpu.core_type<sc_vector_subcore>, window_params = [{transform_indices = #map}, {transform_indices = #map1}, {transform_indices = #map}]} {
    %mul3A = arith.constant 2 : i32
    %mul3A_0 = arith.muli %arg1, %mul3A : i32
    %add3A = arith.addi %mul3A_0, %arg0 : i32
    %mul3A_1 = arith.constant 256 : i32
    %mul3A_2 = arith.muli %add3A, %mul3A_1 : i32
    %add3A_3 = arith.constant 0 : i32
    %add3A_4 = arith.addi %mul3A_2, %add3A_3 : i32
    %dma_start3A = arith.constant 0 : i32
    %dma_start3A_5 = tpu.memref_slice %arg2[%add3A_4, %dma_start3A] : memref<8192x2048xf32, #tpu.memory_space<hbm>> -> memref<8x2048xf32, #tpu.memory_space<hbm>>
    %dma_start3A_6 = arith.constant 0 : i32
    %dma_start3A_7 = tpu.memref_slice %arg2[%add3A_4, %dma_start3A_6] : memref<8192x2048xf32, #tpu.memory_space<hbm>> -> memref<8x2048xf32, #tpu.memory_space<hbm>>
    tpu.enqueue_dma source(%dma_start3A_7 : memref<8x2048xf32, #tpu.memory_space<hbm>>) target(%arg5 : memref<8x2048xf32, #tpu.memory_space<vmem>>) target_semaphore(%arg10 : memref<!tpu.dma_semaphore, #tpu.memory_space<semaphore_mem>>)
    %add3A_8 = arith.constant 8 : i32
    %add3A_9 = arith.addi %mul3A_2, %add3A_8 : i32
    %dma_start3A_10 = arith.constant 0 : i32
    %dma_start3A_11 = tpu.memref_slice %arg2[%add3A_9, %dma_start3A_10] : memref<8192x2048xf32, #tpu.memory_space<hbm>> -> memref<8x2048xf32, #tpu.memory_space<hbm>>
    %dma_start3A_12 = arith.constant 0 : i32
    %dma_start3A_13 = tpu.memref_slice %arg2[%add3A_9, %dma_start3A_12] : memref<8192x2048xf32, #tpu.memory_space<hbm>> -> memref<8x2048xf32, #tpu.memory_space<hbm>>
    tpu.enqueue_dma source(%dma_start3A_13 : memref<8x2048xf32, #tpu.memory_space<hbm>>) target(%arg6 : memref<8x2048xf32, #tpu.memory_space<vmem>>) target_semaphore(%arg11 : memref<!tpu.dma_semaphore, #tpu.memory_space<semaphore_mem>>)
    "tpu.region"() ({
      %run_scoped3A = tpu.sem_alloc : memref<!tpu.dma_semaphore, #tpu.memory_space<semaphore_mem>>
      tpu.enqueue_dma source(%arg3 : memref<96xf32, #tpu.memory_space<hbm>>) target(%arg9 : memref<96xf32, #tpu.memory_space<vmem>>) target_semaphore(%run_scoped3A : memref<!tpu.dma_semaphore, #tpu.memory_space<semaphore_mem>>)
      tpu.wait_dma2 semaphore(%run_scoped3A : memref<!tpu.dma_semaphore, #tpu.memory_space<semaphore_mem>>) src(%arg3 : memref<96xf32, #tpu.memory_space<hbm>>) dst(%arg9 : memref<96xf32, #tpu.memory_space<vmem>>)
      tpu.yield
    }) : () -> ()
    %get3A = arith.constant 64 : index
    %get3A_14 = tpu.vector_load %arg9[%get3A] {strides = array<i32>} : memref<96xf32, #tpu.memory_space<vmem>>, vector<16xf32>,
    %get3A_15 = arith.constant 80 : index
    %get3A_16 = tpu.vector_load %arg9[%get3A_15] {strides = array<i32>} : memref<96xf32, #tpu.memory_space<vmem>>, vector<16xf32>,
    %add3A_17 = arith.constant 0 : i32
    %add3A_18 = arith.addi %mul3A_2, %add3A_17 : i32
    %dma_wait3A = arith.constant 0 : i32
    %dma_wait3A_19 = tpu.memref_slice %arg2[%add3A_18, %dma_wait3A] : memref<8192x2048xf32, #tpu.memory_space<hbm>> -> memref<8x2048xf32, #tpu.memory_space<hbm>>
    %dma_wait3A_20 = arith.constant 0 : i32
    %dma_wait3A_21 = tpu.memref_slice %arg2[%add3A_18, %dma_wait3A_20] : memref<8192x2048xf32, #tpu.memory_space<hbm>> -> memref<8x2048xf32, #tpu.memory_space<hbm>>
    tpu.wait_dma2 semaphore(%arg10 : memref<!tpu.dma_semaphore, #tpu.memory_space<semaphore_mem>>) src(%dma_wait3A_21 : memref<8x2048xf32, #tpu.memory_space<hbm>>) dst(%arg5 : memref<8x2048xf32, #tpu.memory_space<vmem>>)
    %parallel_loop3A = arith.constant 0 : i32
    %parallel_loop3A_22 = arith.constant 16384 : i32
    %parallel_loop3A_23 = arith.constant 16 : i32
    scf.for %parallel_loop3A_116 = %parallel_loop3A to %parallel_loop3A_22 step %parallel_loop3A_23  : i32 {
      %parallel_loop3A_117 = arith.constant 11 : i32
      %parallel_loop3A_118 = arith.shrui %parallel_loop3A_116, %parallel_loop3A_117 : i32
      %parallel_loop3A_119 = arith.constant 2047 : i32
      %parallel_loop3A_120 = arith.andi %parallel_loop3A_116, %parallel_loop3A_119 : i32
      %parallel_loop3A_121 = arith.index_cast %parallel_loop3A_118 : i32 to index
      %parallel_loop3A_122 = arith.index_cast %parallel_loop3A_120 : i32 to index
      %parallel_loop3A_123 = tpu.vector_load %arg5[%parallel_loop3A_121, %parallel_loop3A_122] {strides = array<i32>} : memref<8x2048xf32, #tpu.memory_space<vmem>>, vector<16xf32>,
      %parallel_loop3A_124 = arith.mulf %parallel_loop3A_123, %get3A_14 : vector<16xf32>
      %parallel_loop3A_125 = arith.addf %parallel_loop3A_124, %get3A_16 : vector<16xf32>
      %parallel_loop3A_126 = arith.constant 0.000000e+00 : f32
      %parallel_loop3A_127 = vector.broadcast %parallel_loop3A_126 : f32 to vector<16xf32>
      %parallel_loop3A_128 = arith.maximumf %parallel_loop3A_125, %parallel_loop3A_127 : vector<16xf32>
      %parallel_loop3A_129 = arith.constant 1.700000e+01 : f32
      %parallel_loop3A_130 = vector.broadcast %parallel_loop3A_129 : f32 to vector<16xf32>
      %parallel_loop3A_131 = arith.minimumf %parallel_loop3A_128, %parallel_loop3A_130 : vector<16xf32>
      %parallel_loop3A_132 = arith.fptosi %parallel_loop3A_131 : vector<16xf32> to vector<16xi32>
      %parallel_loop3A_133 = arith.constant 0 : i32
      %parallel_loop3A_134 = tpu.memref_slice %arg9[%parallel_loop3A_133] : memref<96xf32, #tpu.memory_space<vmem>> -> memref<32xf32, #tpu.memory_space<vmem>>
      %parallel_loop3A_135 = tpu.vector_load_idx %parallel_loop3A_134[%parallel_loop3A_132] : memref<32xf32, #tpu.memory_space<vmem>>[vector<16xi32>], vector<16xf32>,
      %parallel_loop3A_136 = arith.constant 32 : i32
      %parallel_loop3A_137 = tpu.memref_slice %arg9[%parallel_loop3A_136] : memref<96xf32, #tpu.memory_space<vmem>> -> memref<32xf32, #tpu.memory_space<vmem>>
      %parallel_loop3A_138 = tpu.vector_load_idx %parallel_loop3A_137[%parallel_loop3A_132] : memref<32xf32, #tpu.memory_space<vmem>>[vector<16xi32>], vector<16xf32>,
      %parallel_loop3A_139 = arith.mulf %parallel_loop3A_123, %parallel_loop3A_138 : vector<16xf32>
      %parallel_loop3A_140 = arith.addf %parallel_loop3A_135, %parallel_loop3A_139 : vector<16xf32>
      %parallel_loop3A_141 = arith.index_cast %parallel_loop3A_118 : i32 to index
      %parallel_loop3A_142 = arith.index_cast %parallel_loop3A_120 : i32 to index
      %parallel_loop3A_143 = tpu.vector_load %arg7[%parallel_loop3A_141, %parallel_loop3A_142] {strides = array<i32>} : memref<8x2048xf32, #tpu.memory_space<vmem>>, vector<16xf32>,
      tpu.vector_store %arg7[%parallel_loop3A_141, %parallel_loop3A_142], %parallel_loop3A_140 {strides = array<i32>} : memref<8x2048xf32, #tpu.memory_space<vmem>>, vector<16xf32>,
    } {sc.loop_unroll_factor = 8 : i64, sc.parallel_access}
    %add3A_24 = arith.constant 0 : i32
    %add3A_25 = arith.addi %mul3A_2, %add3A_24 : i32
    %dma_start3A_26 = arith.constant 0 : i32
    %dma_start3A_27 = tpu.memref_slice %arg4[%add3A_25, %dma_start3A_26] : memref<8192x2048xf32, #tpu.memory_space<hbm>> -> memref<8x2048xf32, #tpu.memory_space<hbm>>
    %dma_start3A_28 = arith.constant 0 : i32
    %dma_start3A_29 = tpu.memref_slice %arg4[%add3A_25, %dma_start3A_28] : memref<8192x2048xf32, #tpu.memory_space<hbm>> -> memref<8x2048xf32, #tpu.memory_space<hbm>>
    tpu.enqueue_dma source(%arg7 : memref<8x2048xf32, #tpu.memory_space<vmem>>) target(%dma_start3A_29 : memref<8x2048xf32, #tpu.memory_space<hbm>>) target_semaphore(%arg12 : memref<!tpu.dma_semaphore, #tpu.memory_space<semaphore_mem>>)
    %add3A_30 = arith.constant 16 : i32
    %add3A_31 = arith.addi %mul3A_2, %add3A_30 : i32
    %dma_start3A_32 = arith.constant 0 : i32
    %dma_start3A_33 = tpu.memref_slice %arg2[%add3A_31, %dma_start3A_32] : memref<8192x2048xf32, #tpu.memory_space<hbm>> -> memref<8x2048xf32, #tpu.memory_space<hbm>>
    %dma_start3A_34 = arith.constant 0 : i32
    %dma_start3A_35 = tpu.memref_slice %arg2[%add3A_31, %dma_start3A_34] : memref<8192x2048xf32, #tpu.memory_space<hbm>> -> memref<8x2048xf32, #tpu.memory_space<hbm>>
    tpu.enqueue_dma source(%dma_start3A_35 : memref<8x2048xf32, #tpu.memory_space<hbm>>) target(%arg5 : memref<8x2048xf32, #tpu.memory_space<vmem>>) target_semaphore(%arg10 : memref<!tpu.dma_semaphore, #tpu.memory_space<semaphore_mem>>)
    %add3A_36 = arith.constant 8 : i32
    %add3A_37 = arith.addi %mul3A_2, %add3A_36 : i32
    %dma_wait3A_38 = arith.constant 0 : i32
    %dma_wait3A_39 = tpu.memref_slice %arg2[%add3A_37, %dma_wait3A_38] : memref<8192x2048xf32, #tpu.memory_space<hbm>> -> memref<8x2048xf32, #tpu.memory_space<hbm>>
    %dma_wait3A_40 = arith.constant 0 : i32
    %dma_wait3A_41 = tpu.memref_slice %arg2[%add3A_37, %dma_wait3A_40] : memref<8192x2048xf32, #tpu.memory_space<hbm>> -> memref<8x2048xf32, #tpu.memory_space<hbm>>
    tpu.wait_dma2 semaphore(%arg11 : memref<!tpu.dma_semaphore, #tpu.memory_space<semaphore_mem>>) src(%dma_wait3A_41 : memref<8x2048xf32, #tpu.memory_space<hbm>>) dst(%arg6 : memref<8x2048xf32, #tpu.memory_space<vmem>>)
    %parallel_loop3A_42 = arith.constant 0 : i32
    %parallel_loop3A_43 = arith.constant 16384 : i32
    %parallel_loop3A_44 = arith.constant 16 : i32
    scf.for %parallel_loop3A_116 = %parallel_loop3A_42 to %parallel_loop3A_43 step %parallel_loop3A_44  : i32 {
      %parallel_loop3A_117 = arith.constant 11 : i32
      %parallel_loop3A_118 = arith.shrui %parallel_loop3A_116, %parallel_loop3A_117 : i32
      %parallel_loop3A_119 = arith.constant 2047 : i32
      %parallel_loop3A_120 = arith.andi %parallel_loop3A_116, %parallel_loop3A_119 : i32
      %parallel_loop3A_121 = arith.index_cast %parallel_loop3A_118 : i32 to index
      %parallel_loop3A_122 = arith.index_cast %parallel_loop3A_120 : i32 to index
      %parallel_loop3A_123 = tpu.vector_load %arg6[%parallel_loop3A_121, %parallel_loop3A_122] {strides = array<i32>} : memref<8x2048xf32, #tpu.memory_space<vmem>>, vector<16xf32>,
      %parallel_loop3A_124 = arith.mulf %parallel_loop3A_123, %get3A_14 : vector<16xf32>
      %parallel_loop3A_125 = arith.addf %parallel_loop3A_124, %get3A_16 : vector<16xf32>
      %parallel_loop3A_126 = arith.constant 0.000000e+00 : f32
      %parallel_loop3A_127 = vector.broadcast %parallel_loop3A_126 : f32 to vector<16xf32>
      %parallel_loop3A_128 = arith.maximumf %parallel_loop3A_125, %parallel_loop3A_127 : vector<16xf32>
      %parallel_loop3A_129 = arith.constant 1.700000e+01 : f32
      %parallel_loop3A_130 = vector.broadcast %parallel_loop3A_129 : f32 to vector<16xf32>
      %parallel_loop3A_131 = arith.minimumf %parallel_loop3A_128, %parallel_loop3A_130 : vector<16xf32>
      %parallel_loop3A_132 = arith.fptosi %parallel_loop3A_131 : vector<16xf32> to vector<16xi32>
      %parallel_loop3A_133 = arith.constant 0 : i32
      %parallel_loop3A_134 = tpu.memref_slice %arg9[%parallel_loop3A_133] : memref<96xf32, #tpu.memory_space<vmem>> -> memref<32xf32, #tpu.memory_space<vmem>>
      %parallel_loop3A_135 = tpu.vector_load_idx %parallel_loop3A_134[%parallel_loop3A_132] : memref<32xf32, #tpu.memory_space<vmem>>[vector<16xi32>], vector<16xf32>,
      %parallel_loop3A_136 = arith.constant 32 : i32
      %parallel_loop3A_137 = tpu.memref_slice %arg9[%parallel_loop3A_136] : memref<96xf32, #tpu.memory_space<vmem>> -> memref<32xf32, #tpu.memory_space<vmem>>
      %parallel_loop3A_138 = tpu.vector_load_idx %parallel_loop3A_137[%parallel_loop3A_132] : memref<32xf32, #tpu.memory_space<vmem>>[vector<16xi32>], vector<16xf32>,
      %parallel_loop3A_139 = arith.mulf %parallel_loop3A_123, %parallel_loop3A_138 : vector<16xf32>
      %parallel_loop3A_140 = arith.addf %parallel_loop3A_135, %parallel_loop3A_139 : vector<16xf32>
      %parallel_loop3A_141 = arith.index_cast %parallel_loop3A_118 : i32 to index
      %parallel_loop3A_142 = arith.index_cast %parallel_loop3A_120 : i32 to index
      %parallel_loop3A_143 = tpu.vector_load %arg8[%parallel_loop3A_141, %parallel_loop3A_142] {strides = array<i32>} : memref<8x2048xf32, #tpu.memory_space<vmem>>, vector<16xf32>,
      tpu.vector_store %arg8[%parallel_loop3A_141, %parallel_loop3A_142], %parallel_loop3A_140 {strides = array<i32>} : memref<8x2048xf32, #tpu.memory_space<vmem>>, vector<16xf32>,
    } {sc.loop_unroll_factor = 8 : i64, sc.parallel_access}
    %add3A_45 = arith.constant 8 : i32
    %add3A_46 = arith.addi %mul3A_2, %add3A_45 : i32
    %dma_start3A_47 = arith.constant 0 : i32
    %dma_start3A_48 = tpu.memref_slice %arg4[%add3A_46, %dma_start3A_47] : memref<8192x2048xf32, #tpu.memory_space<hbm>> -> memref<8x2048xf32, #tpu.memory_space<hbm>>
    %dma_start3A_49 = arith.constant 0 : i32
    %dma_start3A_50 = tpu.memref_slice %arg4[%add3A_46, %dma_start3A_49] : memref<8192x2048xf32, #tpu.memory_space<hbm>> -> memref<8x2048xf32, #tpu.memory_space<hbm>>
    tpu.enqueue_dma source(%arg8 : memref<8x2048xf32, #tpu.memory_space<vmem>>) target(%dma_start3A_50 : memref<8x2048xf32, #tpu.memory_space<hbm>>) target_semaphore(%arg13 : memref<!tpu.dma_semaphore, #tpu.memory_space<semaphore_mem>>)
    %add3A_51 = arith.constant 24 : i32
    %add3A_52 = arith.addi %mul3A_2, %add3A_51 : i32
    %dma_start3A_53 = arith.constant 0 : i32
    %dma_start3A_54 = tpu.memref_slice %arg2[%add3A_52, %dma_start3A_53] : memref<8192x2048xf32, #tpu.memory_space<hbm>> -> memref<8x2048xf32, #tpu.memory_space<hbm>>
    %dma_start3A_55 = arith.constant 0 : i32
    %dma_start3A_56 = tpu.memref_slice %arg2[%add3A_52, %dma_start3A_55] : memref<8192x2048xf32, #tpu.memory_space<hbm>> -> memref<8x2048xf32, #tpu.memory_space<hbm>>
    tpu.enqueue_dma source(%dma_start3A_56 : memref<8x2048xf32, #tpu.memory_space<hbm>>) target(%arg6 : memref<8x2048xf32, #tpu.memory_space<vmem>>) target_semaphore(%arg11 : memref<!tpu.dma_semaphore, #tpu.memory_space<semaphore_mem>>)
    %scan3A = arith.constant 0 : i32
    %scan3A_57 = arith.constant 1 : i32
    %scan3A_58 = arith.constant 14 : i32
    %scan3A_59 = arith.addi %scan3A_57, %scan3A_58 : i32
    %scan3A_60 = arith.constant 1 : i32
    scf.for %scan3A_116 = %scan3A_57 to %scan3A_59 step %scan3A_60  : i32 {
      %mul3A_117 = arith.constant 2 : i32
      %mul3A_118 = arith.muli %mul3A_117, %scan3A_116 : i32
      %add3A_119 = arith.constant 0 : i32
      %add3A_120 = arith.addi %mul3A_118, %add3A_119 : i32
      %mul3A_121 = arith.constant 8 : i32
      %mul3A_122 = arith.muli %add3A_120, %mul3A_121 : i32
      %add3A_123 = arith.addi %mul3A_2, %mul3A_122 : i32
      %dma_wait3A_124 = arith.constant 0 : i32
      %dma_wait3A_125 = tpu.memref_slice %arg2[%add3A_123, %dma_wait3A_124] : memref<8192x2048xf32, #tpu.memory_space<hbm>> -> memref<8x2048xf32, #tpu.memory_space<hbm>>
      %dma_wait3A_126 = arith.constant 0 : i32
      %dma_wait3A_127 = tpu.memref_slice %arg2[%add3A_123, %dma_wait3A_126] : memref<8192x2048xf32, #tpu.memory_space<hbm>> -> memref<8x2048xf32, #tpu.memory_space<hbm>>
      tpu.wait_dma2 semaphore(%arg10 : memref<!tpu.dma_semaphore, #tpu.memory_space<semaphore_mem>>) src(%dma_wait3A_127 : memref<8x2048xf32, #tpu.memory_space<hbm>>) dst(%arg5 : memref<8x2048xf32, #tpu.memory_space<vmem>>)
      %sub3A = arith.constant 2 : i32
      %sub3A_128 = arith.subi %add3A_120, %sub3A : i32
      %mul3A_129 = arith.constant 8 : i32
      %mul3A_130 = arith.muli %sub3A_128, %mul3A_129 : i32
      %add3A_131 = arith.addi %mul3A_2, %mul3A_130 : i32
      %dma_wait3A_132 = arith.constant 0 : i32
      %dma_wait3A_133 = tpu.memref_slice %arg4[%add3A_131, %dma_wait3A_132] : memref<8192x2048xf32, #tpu.memory_space<hbm>> -> memref<8x2048xf32, #tpu.memory_space<hbm>>
      %dma_wait3A_134 = arith.constant 0 : i32
      %dma_wait3A_135 = tpu.memref_slice %arg4[%add3A_131, %dma_wait3A_134] : memref<8192x2048xf32, #tpu.memory_space<hbm>> -> memref<8x2048xf32, #tpu.memory_space<hbm>>
      tpu.wait_dma2 semaphore(%arg12 : memref<!tpu.dma_semaphore, #tpu.memory_space<semaphore_mem>>) src(%arg7 : memref<8x2048xf32, #tpu.memory_space<vmem>>) dst(%dma_wait3A_135 : memref<8x2048xf32, #tpu.memory_space<hbm>>)
      %parallel_loop3A_136 = arith.constant 0 : i32
      %parallel_loop3A_137 = arith.constant 16384 : i32
      %parallel_loop3A_138 = arith.constant 16 : i32
      scf.for %parallel_loop3A_194 = %parallel_loop3A_136 to %parallel_loop3A_137 step %parallel_loop3A_138  : i32 {
        %parallel_loop3A_195 = arith.constant 11 : i32
        %parallel_loop3A_196 = arith.shrui %parallel_loop3A_194, %parallel_loop3A_195 : i32
        %parallel_loop3A_197 = arith.constant 2047 : i32
        %parallel_loop3A_198 = arith.andi %parallel_loop3A_194, %parallel_loop3A_197 : i32
        %parallel_loop3A_199 = arith.index_cast %parallel_loop3A_196 : i32 to index
        %parallel_loop3A_200 = arith.index_cast %parallel_loop3A_198 : i32 to index
        %parallel_loop3A_201 = tpu.vector_load %arg5[%parallel_loop3A_199, %parallel_loop3A_200] {strides = array<i32>} : memref<8x2048xf32, #tpu.memory_space<vmem>>, vector<16xf32>,
        %parallel_loop3A_202 = arith.mulf %parallel_loop3A_201, %get3A_14 : vector<16xf32>
        %parallel_loop3A_203 = arith.addf %parallel_loop3A_202, %get3A_16 : vector<16xf32>
        %parallel_loop3A_204 = arith.constant 0.000000e+00 : f32
        %parallel_loop3A_205 = vector.broadcast %parallel_loop3A_204 : f32 to vector<16xf32>
        %parallel_loop3A_206 = arith.maximumf %parallel_loop3A_203, %parallel_loop3A_205 : vector<16xf32>
        %parallel_loop3A_207 = arith.constant 1.700000e+01 : f32
        %parallel_loop3A_208 = vector.broadcast %parallel_loop3A_207 : f32 to vector<16xf32>
        %parallel_loop3A_209 = arith.minimumf %parallel_loop3A_206, %parallel_loop3A_208 : vector<16xf32>
        %parallel_loop3A_210 = arith.fptosi %parallel_loop3A_209 : vector<16xf32> to vector<16xi32>
        %parallel_loop3A_211 = arith.constant 0 : i32
        %parallel_loop3A_212 = tpu.memref_slice %arg9[%parallel_loop3A_211] : memref<96xf32, #tpu.memory_space<vmem>> -> memref<32xf32, #tpu.memory_space<vmem>>
        %parallel_loop3A_213 = tpu.vector_load_idx %parallel_loop3A_212[%parallel_loop3A_210] : memref<32xf32, #tpu.memory_space<vmem>>[vector<16xi32>], vector<16xf32>,
        %parallel_loop3A_214 = arith.constant 32 : i32
        %parallel_loop3A_215 = tpu.memref_slice %arg9[%parallel_loop3A_214] : memref<96xf32, #tpu.memory_space<vmem>> -> memref<32xf32, #tpu.memory_space<vmem>>
        %parallel_loop3A_216 = tpu.vector_load_idx %parallel_loop3A_215[%parallel_loop3A_210] : memref<32xf32, #tpu.memory_space<vmem>>[vector<16xi32>], vector<16xf32>,
        %parallel_loop3A_217 = arith.mulf %parallel_loop3A_201, %parallel_loop3A_216 : vector<16xf32>
        %parallel_loop3A_218 = arith.addf %parallel_loop3A_213, %parallel_loop3A_217 : vector<16xf32>
        %parallel_loop3A_219 = arith.index_cast %parallel_loop3A_196 : i32 to index
        %parallel_loop3A_220 = arith.index_cast %parallel_loop3A_198 : i32 to index
        %parallel_loop3A_221 = tpu.vector_load %arg7[%parallel_loop3A_219, %parallel_loop3A_220] {strides = array<i32>} : memref<8x2048xf32, #tpu.memory_space<vmem>>, vector<16xf32>,
        tpu.vector_store %arg7[%parallel_loop3A_219, %parallel_loop3A_220], %parallel_loop3A_218 {strides = array<i32>} : memref<8x2048xf32, #tpu.memory_space<vmem>>, vector<16xf32>,
      } {sc.loop_unroll_factor = 8 : i64, sc.parallel_access}
      %mul3A_139 = arith.constant 8 : i32
      %mul3A_140 = arith.muli %add3A_120, %mul3A_139 : i32
      %add3A_141 = arith.addi %mul3A_2, %mul3A_140 : i32
      %dma_start3A_142 = arith.constant 0 : i32
      %dma_start3A_143 = tpu.memref_slice %arg4[%add3A_141, %dma_start3A_142] : memref<8192x2048xf32, #tpu.memory_space<hbm>> -> memref<8x2048xf32, #tpu.memory_space<hbm>>
      %dma_start3A_144 = arith.constant 0 : i32
      %dma_start3A_145 = tpu.memref_slice %arg4[%add3A_141, %dma_start3A_144] : memref<8192x2048xf32, #tpu.memory_space<hbm>> -> memref<8x2048xf32, #tpu.memory_space<hbm>>
      tpu.enqueue_dma source(%arg7 : memref<8x2048xf32, #tpu.memory_space<vmem>>) target(%dma_start3A_145 : memref<8x2048xf32, #tpu.memory_space<hbm>>) target_semaphore(%arg12 : memref<!tpu.dma_semaphore, #tpu.memory_space<semaphore_mem>>)
      %add3A_146 = arith.constant 2 : i32
      %add3A_147 = arith.addi %add3A_120, %add3A_146 : i32
      %mul3A_148 = arith.constant 8 : i32
      %mul3A_149 = arith.muli %add3A_147, %mul3A_148 : i32
      %add3A_150 = arith.addi %mul3A_2, %mul3A_149 : i32
      %dma_start3A_151 = arith.constant 0 : i32
      %dma_start3A_152 = tpu.memref_slice %arg2[%add3A_150, %dma_start3A_151] : memref<8192x2048xf32, #tpu.memory_space<hbm>> -> memref<8x2048xf32, #tpu.memory_space<hbm>>
      %dma_start3A_153 = arith.constant 0 : i32
      %dma_start3A_154 = tpu.memref_slice %arg2[%add3A_150, %dma_start3A_153] : memref<8192x2048xf32, #tpu.memory_space<hbm>> -> memref<8x2048xf32, #tpu.memory_space<hbm>>
      tpu.enqueue_dma source(%dma_start3A_154 : memref<8x2048xf32, #tpu.memory_space<hbm>>) target(%arg5 : memref<8x2048xf32, #tpu.memory_space<vmem>>) target_semaphore(%arg10 : memref<!tpu.dma_semaphore, #tpu.memory_space<semaphore_mem>>)
      %mul3A_155 = arith.constant 2 : i32
      %mul3A_156 = arith.muli %mul3A_155, %scan3A_116 : i32
      %add3A_157 = arith.constant 1 : i32
      %add3A_158 = arith.addi %mul3A_156, %add3A_157 : i32
      %mul3A_159 = arith.constant 8 : i32
      %mul3A_160 = arith.muli %add3A_158, %mul3A_159 : i32
      %add3A_161 = arith.addi %mul3A_2, %mul3A_160 : i32
      %dma_wait3A_162 = arith.constant 0 : i32
      %dma_wait3A_163 = tpu.memref_slice %arg2[%add3A_161, %dma_wait3A_162] : memref<8192x2048xf32, #tpu.memory_space<hbm>> -> memref<8x2048xf32, #tpu.memory_space<hbm>>
      %dma_wait3A_164 = arith.constant 0 : i32
      %dma_wait3A_165 = tpu.memref_slice %arg2[%add3A_161, %dma_wait3A_164] : memref<8192x2048xf32, #tpu.memory_space<hbm>> -> memref<8x2048xf32, #tpu.memory_space<hbm>>
      tpu.wait_dma2 semaphore(%arg11 : memref<!tpu.dma_semaphore, #tpu.memory_space<semaphore_mem>>) src(%dma_wait3A_165 : memref<8x2048xf32, #tpu.memory_space<hbm>>) dst(%arg6 : memref<8x2048xf32, #tpu.memory_space<vmem>>)
      %sub3A_166 = arith.constant 2 : i32
      %sub3A_167 = arith.subi %add3A_158, %sub3A_166 : i32
      %mul3A_168 = arith.constant 8 : i32
      %mul3A_169 = arith.muli %sub3A_167, %mul3A_168 : i32
      %add3A_170 = arith.addi %mul3A_2, %mul3A_169 : i32
      %dma_wait3A_171 = arith.constant 0 : i32
      %dma_wait3A_172 = tpu.memref_slice %arg4[%add3A_170, %dma_wait3A_171] : memref<8192x2048xf32, #tpu.memory_space<hbm>> -> memref<8x2048xf32, #tpu.memory_space<hbm>>
      %dma_wait3A_173 = arith.constant 0 : i32
      %dma_wait3A_174 = tpu.memref_slice %arg4[%add3A_170, %dma_wait3A_173] : memref<8192x2048xf32, #tpu.memory_space<hbm>> -> memref<8x2048xf32, #tpu.memory_space<hbm>>
      tpu.wait_dma2 semaphore(%arg13 : memref<!tpu.dma_semaphore, #tpu.memory_space<semaphore_mem>>) src(%arg8 : memref<8x2048xf32, #tpu.memory_space<vmem>>) dst(%dma_wait3A_174 : memref<8x2048xf32, #tpu.memory_space<hbm>>)
      %parallel_loop3A_175 = arith.constant 0 : i32
      %parallel_loop3A_176 = arith.constant 16384 : i32
      %parallel_loop3A_177 = arith.constant 16 : i32
      scf.for %parallel_loop3A_194 = %parallel_loop3A_175 to %parallel_loop3A_176 step %parallel_loop3A_177  : i32 {
        %parallel_loop3A_195 = arith.constant 11 : i32
        %parallel_loop3A_196 = arith.shrui %parallel_loop3A_194, %parallel_loop3A_195 : i32
        %parallel_loop3A_197 = arith.constant 2047 : i32
        %parallel_loop3A_198 = arith.andi %parallel_loop3A_194, %parallel_loop3A_197 : i32
        %parallel_loop3A_199 = arith.index_cast %parallel_loop3A_196 : i32 to index
        %parallel_loop3A_200 = arith.index_cast %parallel_loop3A_198 : i32 to index
        %parallel_loop3A_201 = tpu.vector_load %arg6[%parallel_loop3A_199, %parallel_loop3A_200] {strides = array<i32>} : memref<8x2048xf32, #tpu.memory_space<vmem>>, vector<16xf32>,
        %parallel_loop3A_202 = arith.mulf %parallel_loop3A_201, %get3A_14 : vector<16xf32>
        %parallel_loop3A_203 = arith.addf %parallel_loop3A_202, %get3A_16 : vector<16xf32>
        %parallel_loop3A_204 = arith.constant 0.000000e+00 : f32
        %parallel_loop3A_205 = vector.broadcast %parallel_loop3A_204 : f32 to vector<16xf32>
        %parallel_loop3A_206 = arith.maximumf %parallel_loop3A_203, %parallel_loop3A_205 : vector<16xf32>
        %parallel_loop3A_207 = arith.constant 1.700000e+01 : f32
        %parallel_loop3A_208 = vector.broadcast %parallel_loop3A_207 : f32 to vector<16xf32>
        %parallel_loop3A_209 = arith.minimumf %parallel_loop3A_206, %parallel_loop3A_208 : vector<16xf32>
        %parallel_loop3A_210 = arith.fptosi %parallel_loop3A_209 : vector<16xf32> to vector<16xi32>
        %parallel_loop3A_211 = arith.constant 0 : i32
        %parallel_loop3A_212 = tpu.memref_slice %arg9[%parallel_loop3A_211] : memref<96xf32, #tpu.memory_space<vmem>> -> memref<32xf32, #tpu.memory_space<vmem>>
        %parallel_loop3A_213 = tpu.vector_load_idx %parallel_loop3A_212[%parallel_loop3A_210] : memref<32xf32, #tpu.memory_space<vmem>>[vector<16xi32>], vector<16xf32>,
        %parallel_loop3A_214 = arith.constant 32 : i32
        %parallel_loop3A_215 = tpu.memref_slice %arg9[%parallel_loop3A_214] : memref<96xf32, #tpu.memory_space<vmem>> -> memref<32xf32, #tpu.memory_space<vmem>>
        %parallel_loop3A_216 = tpu.vector_load_idx %parallel_loop3A_215[%parallel_loop3A_210] : memref<32xf32, #tpu.memory_space<vmem>>[vector<16xi32>], vector<16xf32>,
        %parallel_loop3A_217 = arith.mulf %parallel_loop3A_201, %parallel_loop3A_216 : vector<16xf32>
        %parallel_loop3A_218 = arith.addf %parallel_loop3A_213, %parallel_loop3A_217 : vector<16xf32>
        %parallel_loop3A_219 = arith.index_cast %parallel_loop3A_196 : i32 to index
        %parallel_loop3A_220 = arith.index_cast %parallel_loop3A_198 : i32 to index
        %parallel_loop3A_221 = tpu.vector_load %arg8[%parallel_loop3A_219, %parallel_loop3A_220] {strides = array<i32>} : memref<8x2048xf32, #tpu.memory_space<vmem>>, vector<16xf32>,
        tpu.vector_store %arg8[%parallel_loop3A_219, %parallel_loop3A_220], %parallel_loop3A_218 {strides = array<i32>} : memref<8x2048xf32, #tpu.memory_space<vmem>>, vector<16xf32>,
      } {sc.loop_unroll_factor = 8 : i64, sc.parallel_access}
      %mul3A_178 = arith.constant 8 : i32
      %mul3A_179 = arith.muli %add3A_158, %mul3A_178 : i32
      %add3A_180 = arith.addi %mul3A_2, %mul3A_179 : i32
      %dma_start3A_181 = arith.constant 0 : i32
      %dma_start3A_182 = tpu.memref_slice %arg4[%add3A_180, %dma_start3A_181] : memref<8192x2048xf32, #tpu.memory_space<hbm>> -> memref<8x2048xf32, #tpu.memory_space<hbm>>
      %dma_start3A_183 = arith.constant 0 : i32
      %dma_start3A_184 = tpu.memref_slice %arg4[%add3A_180, %dma_start3A_183] : memref<8192x2048xf32, #tpu.memory_space<hbm>> -> memref<8x2048xf32, #tpu.memory_space<hbm>>
      tpu.enqueue_dma source(%arg8 : memref<8x2048xf32, #tpu.memory_space<vmem>>) target(%dma_start3A_184 : memref<8x2048xf32, #tpu.memory_space<hbm>>) target_semaphore(%arg13 : memref<!tpu.dma_semaphore, #tpu.memory_space<semaphore_mem>>)
      %add3A_185 = arith.constant 2 : i32
      %add3A_186 = arith.addi %add3A_158, %add3A_185 : i32
      %mul3A_187 = arith.constant 8 : i32
      %mul3A_188 = arith.muli %add3A_186, %mul3A_187 : i32
      %add3A_189 = arith.addi %mul3A_2, %mul3A_188 : i32
      %dma_start3A_190 = arith.constant 0 : i32
      %dma_start3A_191 = tpu.memref_slice %arg2[%add3A_189, %dma_start3A_190] : memref<8192x2048xf32, #tpu.memory_space<hbm>> -> memref<8x2048xf32, #tpu.memory_space<hbm>>
      %dma_start3A_192 = arith.constant 0 : i32
      %dma_start3A_193 = tpu.memref_slice %arg2[%add3A_189, %dma_start3A_192] : memref<8192x2048xf32, #tpu.memory_space<hbm>> -> memref<8x2048xf32, #tpu.memory_space<hbm>>
      tpu.enqueue_dma source(%dma_start3A_193 : memref<8x2048xf32, #tpu.memory_space<hbm>>) target(%arg6 : memref<8x2048xf32, #tpu.memory_space<vmem>>) target_semaphore(%arg11 : memref<!tpu.dma_semaphore, #tpu.memory_space<semaphore_mem>>)
    }
    %scan3A_61 = arith.constant 14 : i32
    %add3A_62 = arith.constant 240 : i32
    %add3A_63 = arith.addi %mul3A_2, %add3A_62 : i32
    %dma_wait3A_64 = arith.constant 0 : i32
    %dma_wait3A_65 = tpu.memref_slice %arg2[%add3A_63, %dma_wait3A_64] : memref<8192x2048xf32, #tpu.memory_space<hbm>> -> memref<8x2048xf32, #tpu.memory_space<hbm>>
    %dma_wait3A_66 = arith.constant 0 : i32
    %dma_wait3A_67 = tpu.memref_slice %arg2[%add3A_63, %dma_wait3A_66] : memref<8192x2048xf32, #tpu.memory_space<hbm>> -> memref<8x2048xf32, #tpu.memory_space<hbm>>
    tpu.wait_dma2 semaphore(%arg10 : memref<!tpu.dma_semaphore, #tpu.memory_space<semaphore_mem>>) src(%dma_wait3A_67 : memref<8x2048xf32, #tpu.memory_space<hbm>>) dst(%arg5 : memref<8x2048xf32, #tpu.memory_space<vmem>>)
    %add3A_68 = arith.constant 224 : i32
    %add3A_69 = arith.addi %mul3A_2, %add3A_68 : i32
    %dma_wait3A_70 = arith.constant 0 : i32
    %dma_wait3A_71 = tpu.memref_slice %arg4[%add3A_69, %dma_wait3A_70] : memref<8192x2048xf32, #tpu.memory_space<hbm>> -> memref<8x2048xf32, #tpu.memory_space<hbm>>
    %dma_wait3A_72 = arith.constant 0 : i32
    %dma_wait3A_73 = tpu.memref_slice %arg4[%add3A_69, %dma_wait3A_72] : memref<8192x2048xf32, #tpu.memory_space<hbm>> -> memref<8x2048xf32, #tpu.memory_space<hbm>>
    tpu.wait_dma2 semaphore(%arg12 : memref<!tpu.dma_semaphore, #tpu.memory_space<semaphore_mem>>) src(%arg7 : memref<8x2048xf32, #tpu.memory_space<vmem>>) dst(%dma_wait3A_73 : memref<8x2048xf32, #tpu.memory_space<hbm>>)
    %parallel_loop3A_74 = arith.constant 0 : i32
    %parallel_loop3A_75 = arith.constant 16384 : i32
    %parallel_loop3A_76 = arith.constant 16 : i32
    scf.for %parallel_loop3A_116 = %parallel_loop3A_74 to %parallel_loop3A_75 step %parallel_loop3A_76  : i32 {
      %parallel_loop3A_117 = arith.constant 11 : i32
      %parallel_loop3A_118 = arith.shrui %parallel_loop3A_116, %parallel_loop3A_117 : i32
      %parallel_loop3A_119 = arith.constant 2047 : i32
      %parallel_loop3A_120 = arith.andi %parallel_loop3A_116, %parallel_loop3A_119 : i32
      %parallel_loop3A_121 = arith.index_cast %parallel_loop3A_118 : i32 to index
      %parallel_loop3A_122 = arith.index_cast %parallel_loop3A_120 : i32 to index
      %parallel_loop3A_123 = tpu.vector_load %arg5[%parallel_loop3A_121, %parallel_loop3A_122] {strides = array<i32>} : memref<8x2048xf32, #tpu.memory_space<vmem>>, vector<16xf32>,
      %parallel_loop3A_124 = arith.mulf %parallel_loop3A_123, %get3A_14 : vector<16xf32>
      %parallel_loop3A_125 = arith.addf %parallel_loop3A_124, %get3A_16 : vector<16xf32>
      %parallel_loop3A_126 = arith.constant 0.000000e+00 : f32
      %parallel_loop3A_127 = vector.broadcast %parallel_loop3A_126 : f32 to vector<16xf32>
      %parallel_loop3A_128 = arith.maximumf %parallel_loop3A_125, %parallel_loop3A_127 : vector<16xf32>
      %parallel_loop3A_129 = arith.constant 1.700000e+01 : f32
      %parallel_loop3A_130 = vector.broadcast %parallel_loop3A_129 : f32 to vector<16xf32>
      %parallel_loop3A_131 = arith.minimumf %parallel_loop3A_128, %parallel_loop3A_130 : vector<16xf32>
      %parallel_loop3A_132 = arith.fptosi %parallel_loop3A_131 : vector<16xf32> to vector<16xi32>
      %parallel_loop3A_133 = arith.constant 0 : i32
      %parallel_loop3A_134 = tpu.memref_slice %arg9[%parallel_loop3A_133] : memref<96xf32, #tpu.memory_space<vmem>> -> memref<32xf32, #tpu.memory_space<vmem>>
      %parallel_loop3A_135 = tpu.vector_load_idx %parallel_loop3A_134[%parallel_loop3A_132] : memref<32xf32, #tpu.memory_space<vmem>>[vector<16xi32>], vector<16xf32>,
      %parallel_loop3A_136 = arith.constant 32 : i32
      %parallel_loop3A_137 = tpu.memref_slice %arg9[%parallel_loop3A_136] : memref<96xf32, #tpu.memory_space<vmem>> -> memref<32xf32, #tpu.memory_space<vmem>>
      %parallel_loop3A_138 = tpu.vector_load_idx %parallel_loop3A_137[%parallel_loop3A_132] : memref<32xf32, #tpu.memory_space<vmem>>[vector<16xi32>], vector<16xf32>,
      %parallel_loop3A_139 = arith.mulf %parallel_loop3A_123, %parallel_loop3A_138 : vector<16xf32>
      %parallel_loop3A_140 = arith.addf %parallel_loop3A_135, %parallel_loop3A_139 : vector<16xf32>
      %parallel_loop3A_141 = arith.index_cast %parallel_loop3A_118 : i32 to index
      %parallel_loop3A_142 = arith.index_cast %parallel_loop3A_120 : i32 to index
      %parallel_loop3A_143 = tpu.vector_load %arg7[%parallel_loop3A_141, %parallel_loop3A_142] {strides = array<i32>} : memref<8x2048xf32, #tpu.memory_space<vmem>>, vector<16xf32>,
      tpu.vector_store %arg7[%parallel_loop3A_141, %parallel_loop3A_142], %parallel_loop3A_140 {strides = array<i32>} : memref<8x2048xf32, #tpu.memory_space<vmem>>, vector<16xf32>,
    } {sc.loop_unroll_factor = 8 : i64, sc.parallel_access}
    %add3A_77 = arith.constant 240 : i32
    %add3A_78 = arith.addi %mul3A_2, %add3A_77 : i32
    %dma_start3A_79 = arith.constant 0 : i32
    %dma_start3A_80 = tpu.memref_slice %arg4[%add3A_78, %dma_start3A_79] : memref<8192x2048xf32, #tpu.memory_space<hbm>> -> memref<8x2048xf32, #tpu.memory_space<hbm>>
    %dma_start3A_81 = arith.constant 0 : i32
    %dma_start3A_82 = tpu.memref_slice %arg4[%add3A_78, %dma_start3A_81] : memref<8192x2048xf32, #tpu.memory_space<hbm>> -> memref<8x2048xf32, #tpu.memory_space<hbm>>
    tpu.enqueue_dma source(%arg7 : memref<8x2048xf32, #tpu.memory_space<vmem>>) target(%dma_start3A_82 : memref<8x2048xf32, #tpu.memory_space<hbm>>) target_semaphore(%arg12 : memref<!tpu.dma_semaphore, #tpu.memory_space<semaphore_mem>>)
    %add3A_83 = arith.constant 248 : i32
    %add3A_84 = arith.addi %mul3A_2, %add3A_83 : i32
    %dma_wait3A_85 = arith.constant 0 : i32
    %dma_wait3A_86 = tpu.memref_slice %arg2[%add3A_84, %dma_wait3A_85] : memref<8192x2048xf32, #tpu.memory_space<hbm>> -> memref<8x2048xf32, #tpu.memory_space<hbm>>
    %dma_wait3A_87 = arith.constant 0 : i32
    %dma_wait3A_88 = tpu.memref_slice %arg2[%add3A_84, %dma_wait3A_87] : memref<8192x2048xf32, #tpu.memory_space<hbm>> -> memref<8x2048xf32, #tpu.memory_space<hbm>>
    tpu.wait_dma2 semaphore(%arg11 : memref<!tpu.dma_semaphore, #tpu.memory_space<semaphore_mem>>) src(%dma_wait3A_88 : memref<8x2048xf32, #tpu.memory_space<hbm>>) dst(%arg6 : memref<8x2048xf32, #tpu.memory_space<vmem>>)
    %add3A_89 = arith.constant 232 : i32
    %add3A_90 = arith.addi %mul3A_2, %add3A_89 : i32
    %dma_wait3A_91 = arith.constant 0 : i32
    %dma_wait3A_92 = tpu.memref_slice %arg4[%add3A_90, %dma_wait3A_91] : memref<8192x2048xf32, #tpu.memory_space<hbm>> -> memref<8x2048xf32, #tpu.memory_space<hbm>>
    %dma_wait3A_93 = arith.constant 0 : i32
    %dma_wait3A_94 = tpu.memref_slice %arg4[%add3A_90, %dma_wait3A_93] : memref<8192x2048xf32, #tpu.memory_space<hbm>> -> memref<8x2048xf32, #tpu.memory_space<hbm>>
    tpu.wait_dma2 semaphore(%arg13 : memref<!tpu.dma_semaphore, #tpu.memory_space<semaphore_mem>>) src(%arg8 : memref<8x2048xf32, #tpu.memory_space<vmem>>) dst(%dma_wait3A_94 : memref<8x2048xf32, #tpu.memory_space<hbm>>)
    %parallel_loop3A_95 = arith.constant 0 : i32
    %parallel_loop3A_96 = arith.constant 16384 : i32
    %parallel_loop3A_97 = arith.constant 16 : i32
    scf.for %parallel_loop3A_116 = %parallel_loop3A_95 to %parallel_loop3A_96 step %parallel_loop3A_97  : i32 {
      %parallel_loop3A_117 = arith.constant 11 : i32
      %parallel_loop3A_118 = arith.shrui %parallel_loop3A_116, %parallel_loop3A_117 : i32
      %parallel_loop3A_119 = arith.constant 2047 : i32
      %parallel_loop3A_120 = arith.andi %parallel_loop3A_116, %parallel_loop3A_119 : i32
      %parallel_loop3A_121 = arith.index_cast %parallel_loop3A_118 : i32 to index
      %parallel_loop3A_122 = arith.index_cast %parallel_loop3A_120 : i32 to index
      %parallel_loop3A_123 = tpu.vector_load %arg6[%parallel_loop3A_121, %parallel_loop3A_122] {strides = array<i32>} : memref<8x2048xf32, #tpu.memory_space<vmem>>, vector<16xf32>,
      %parallel_loop3A_124 = arith.mulf %parallel_loop3A_123, %get3A_14 : vector<16xf32>
      %parallel_loop3A_125 = arith.addf %parallel_loop3A_124, %get3A_16 : vector<16xf32>
      %parallel_loop3A_126 = arith.constant 0.000000e+00 : f32
      %parallel_loop3A_127 = vector.broadcast %parallel_loop3A_126 : f32 to vector<16xf32>
      %parallel_loop3A_128 = arith.maximumf %parallel_loop3A_125, %parallel_loop3A_127 : vector<16xf32>
      %parallel_loop3A_129 = arith.constant 1.700000e+01 : f32
      %parallel_loop3A_130 = vector.broadcast %parallel_loop3A_129 : f32 to vector<16xf32>
      %parallel_loop3A_131 = arith.minimumf %parallel_loop3A_128, %parallel_loop3A_130 : vector<16xf32>
      %parallel_loop3A_132 = arith.fptosi %parallel_loop3A_131 : vector<16xf32> to vector<16xi32>
      %parallel_loop3A_133 = arith.constant 0 : i32
      %parallel_loop3A_134 = tpu.memref_slice %arg9[%parallel_loop3A_133] : memref<96xf32, #tpu.memory_space<vmem>> -> memref<32xf32, #tpu.memory_space<vmem>>
      %parallel_loop3A_135 = tpu.vector_load_idx %parallel_loop3A_134[%parallel_loop3A_132] : memref<32xf32, #tpu.memory_space<vmem>>[vector<16xi32>], vector<16xf32>,
      %parallel_loop3A_136 = arith.constant 32 : i32
      %parallel_loop3A_137 = tpu.memref_slice %arg9[%parallel_loop3A_136] : memref<96xf32, #tpu.memory_space<vmem>> -> memref<32xf32, #tpu.memory_space<vmem>>
      %parallel_loop3A_138 = tpu.vector_load_idx %parallel_loop3A_137[%parallel_loop3A_132] : memref<32xf32, #tpu.memory_space<vmem>>[vector<16xi32>], vector<16xf32>,
      %parallel_loop3A_139 = arith.mulf %parallel_loop3A_123, %parallel_loop3A_138 : vector<16xf32>
      %parallel_loop3A_140 = arith.addf %parallel_loop3A_135, %parallel_loop3A_139 : vector<16xf32>
      %parallel_loop3A_141 = arith.index_cast %parallel_loop3A_118 : i32 to index
      %parallel_loop3A_142 = arith.index_cast %parallel_loop3A_120 : i32 to index
      %parallel_loop3A_143 = tpu.vector_load %arg8[%parallel_loop3A_141, %parallel_loop3A_142] {strides = array<i32>} : memref<8x2048xf32, #tpu.memory_space<vmem>>, vector<16xf32>,
      tpu.vector_store %arg8[%parallel_loop3A_141, %parallel_loop3A_142], %parallel_loop3A_140 {strides = array<i32>} : memref<8x2048xf32, #tpu.memory_space<vmem>>, vector<16xf32>,
    } {sc.loop_unroll_factor = 8 : i64, sc.parallel_access}
    %add3A_98 = arith.constant 248 : i32
    %add3A_99 = arith.addi %mul3A_2, %add3A_98 : i32
    %dma_start3A_100 = arith.constant 0 : i32
    %dma_start3A_101 = tpu.memref_slice %arg4[%add3A_99, %dma_start3A_100] : memref<8192x2048xf32, #tpu.memory_space<hbm>> -> memref<8x2048xf32, #tpu.memory_space<hbm>>
    %dma_start3A_102 = arith.constant 0 : i32
    %dma_start3A_103 = tpu.memref_slice %arg4[%add3A_99, %dma_start3A_102] : memref<8192x2048xf32, #tpu.memory_space<hbm>> -> memref<8x2048xf32, #tpu.memory_space<hbm>>
    tpu.enqueue_dma source(%arg8 : memref<8x2048xf32, #tpu.memory_space<vmem>>) target(%dma_start3A_103 : memref<8x2048xf32, #tpu.memory_space<hbm>>) target_semaphore(%arg13 : memref<!tpu.dma_semaphore, #tpu.memory_space<semaphore_mem>>)
    %add3A_104 = arith.constant 240 : i32
    %add3A_105 = arith.addi %mul3A_2, %add3A_104 : i32
    %dma_wait3A_106 = arith.constant 0 : i32
    %dma_wait3A_107 = tpu.memref_slice %arg4[%add3A_105, %dma_wait3A_106] : memref<8192x2048xf32, #tpu.memory_space<hbm>> -> memref<8x2048xf32, #tpu.memory_space<hbm>>
    %dma_wait3A_108 = arith.constant 0 : i32
    %dma_wait3A_109 = tpu.memref_slice %arg4[%add3A_105, %dma_wait3A_108] : memref<8192x2048xf32, #tpu.memory_space<hbm>> -> memref<8x2048xf32, #tpu.memory_space<hbm>>
    tpu.wait_dma2 semaphore(%arg12 : memref<!tpu.dma_semaphore, #tpu.memory_space<semaphore_mem>>) src(%arg7 : memref<8x2048xf32, #tpu.memory_space<vmem>>) dst(%dma_wait3A_109 : memref<8x2048xf32, #tpu.memory_space<hbm>>)
    %add3A_110 = arith.constant 248 : i32
    %add3A_111 = arith.addi %mul3A_2, %add3A_110 : i32
    %dma_wait3A_112 = arith.constant 0 : i32
    %dma_wait3A_113 = tpu.memref_slice %arg4[%add3A_111, %dma_wait3A_112] : memref<8192x2048xf32, #tpu.memory_space<hbm>> -> memref<8x2048xf32, #tpu.memory_space<hbm>>
    %dma_wait3A_114 = arith.constant 0 : i32
    %dma_wait3A_115 = tpu.memref_slice %arg4[%add3A_111, %dma_wait3A_114] : memref<8192x2048xf32, #tpu.memory_space<hbm>> -> memref<8x2048xf32, #tpu.memory_space<hbm>>
    tpu.wait_dma2 semaphore(%arg13 : memref<!tpu.dma_semaphore, #tpu.memory_space<semaphore_mem>>) src(%arg8 : memref<8x2048xf32, #tpu.memory_space<vmem>>) dst(%dma_wait3A_115 : memref<8x2048xf32, #tpu.memory_space<hbm>>)
    return
  }
}

</mosaic_0001>

<sc_bundles>
// kernel: kernel.3.cloned.1.call-start
scs
__scs_entry_jumppad:
0x0: {  	(pc) =	sbr.rel $0x88, $3  }
0x1: {  	(tag) =	ssettag $0x0;
	lr =	simm.s32 $0x1  }
0x2: {  	[smem:$0x3F9B] =	sst lr;
	_ =	strace $0xD0000000  }
0x3: {  	_ = 	snop  }
0x4: {  	_ = 	snop  }
0x5: {  	_ = 	snop  }
0x6: {  	_ = 	snop  }
0x7: {  	_ = 	snop  }
__scs_overlays_trampoline_lowered:
0x8: {  	[smem:$0x3FAA] =	sst s0  }
0x9: {  	[smem:$0x3FAB] =	sst s1  }
0xa: {  	[smem:$0x3FAC] =	sst s2  }
0xb: {  	[smem:$0x3FAD] =	sst s3  }
0xc: {  	[smem:$0x3FAE] =	sst s4  }
0xd: {  	[smem:$0x3FAF] =	sst s5  }
0xe: {  	[smem:$0x3FB0] =	sst s6  }
0xf: {  	[smem:$0x3FB1] =	sst s7  }
0x10: {  	[smem:$0x3FB2] =	sst s8  }
0x11: {  	[smem:$0x3FB3] =	sst s9;
	s0 =	simm.s32 @!p0 $0x0  }
0x12: {  	s1 =	sld [smem:$0x3F99];
	s0 =	simm.s32 @p0 $0x1  }
0x13: {  	[smem:$0x3FB4] =	sst s0;
	s0 =	simm.s32 @!p1 $0x0  }
0x14: {  	s2 =	sld [smem:$0x3F98];
	s0 =	simm.s32 @p1 $0x1  }
0x15: {  	[smem:$0x3FB5] =	sst s0;
	s0 =	simm.s32 @!p2 $0x0  }
0x16: {  	s3 =	sld [smem:$0x3FDB];
	s0 =	simm.s32 @p2 $0x1  }
0x17: {  	s4 =	simm.s32 $0x1BF5;
	[smem:$0x3FB7] =	sst s0  }
0x18: {  	s0 =	sld [smem:$0x3F9A];
	_ =	swait.ge [sflag:s4], $0x0  }
0x19: {  	s7 =	sld [smem:$0x3F9B]  }
0x1a: {  	s8 =	sadd.s32 $0xFFFFE003, lr  }
0x1b: {  	s9 =	sadd.s32 $0xFFFFFEF7, lr;
	s5 =	simm.s32 $0xFFFFFFFF;
	p2 =	slt.u32 s8, $0xFFFFF086  }
0x1c: {  	p1 =	slt.u32 s9, $0xF7A;
	s5 =	simm.s32 @!p2 $0x0  }
0x1d: {  	s5 =	simm.s32 @p1 $0x1;
	p0 =	seq.s32 s7, s2  }
0x1e: {  	s7 =	smul.u32 @!p0 $0xF7A, s2;
	p2 =	seq.s32 @!p0 s5, $0x0  }
0x1f: {  	s9 =	smul.u32 $0xF7A, s1;
	s8 =	simm.s32 @!p0 $0x1BF5;
	p2 =	por !p2, p0  }
0x20: {  	[sflag:s8] =	ssyncset.s32 @!p0 $0xFFFFF086;
	s6 =	sadd.s32 @!p0 s3, s7;
	s7 =	simm.s32 @!p0 $0x108  }
0x21: {  	s3 =	sadd.s32 s3, s9;
	s6 =	sadd.s32 @!p0 $0x88, s6;
	s7 =	simm.s32 @p2 $0x1082  }
0x22: {  	[simem:s7], [sflag:s8] =	dma.local @!p0 [hbm:s6], $0xF7A  }
0x23: {  	s9 =	sor.u32 $0xD0000000, s2;
	s6 =	simm.s32 $0x108;
	_ =	swait.ge @!p0 [sflag:s8], $0x0  }
0x24: {  	s3 =	sadd.s32 $0x88, s3;
	s6 =	simm.s32 @!p1 $0x1082;
	[sflag:s4] =	ssyncset.s32 $0xFFFFF086  }
0x25: {  	[simem:s6], [sflag:s4] =	dma.local [hbm:s3], $0xF7A  }
0x26: {  	[smem:$0x3F9B] =	sst s1;
	(tag) =	ssettag s2;
	_ =	strace s9  }
0x27: {  	s1 =	sld [smem:$0x3FAB]  }
0x28: {  	s2 =	sld [smem:$0x3FAC]  }
0x29: {  	s4 =	sld [smem:$0x3FAE]  }
0x2a: {  	p0 =	seq.s32 s5, $0x0;
	s5 =	sld [smem:$0x3FAF]  }
0x2b: {  	s6 =	sld [smem:$0x3FB0]  }
0x2c: {  	s7 =	sld [smem:$0x3FB1]  }
0x2d: {  	s3 =	simm.s32 $0x108;
	s8 =	sld [smem:$0x3FB2]  }
0x2e: {  	s3 =	simm.s32 @!p0 $0x1082;
	s9 =	sld [smem:$0x3FB3]  }
0x2f: {  	lr =	sadd.s32 s0, s3;
	s0 =	sld [smem:$0x3FAA]  }
0x30: {  	s3 =	sld [smem:$0x3FAD]  }
0x31: {  	[smem:$0x3FB6] =	sst s10  }
0x32: {  	s10 =	sld [smem:$0x3FB4];
	_ =	sdelay $0x3  }
0x33: {  	p0 =	seq.s32 s10, $0x1;
	s10 =	sld [smem:$0x3FB6];
	_ =	sdelay $0x3  }
0x34: {  	[smem:$0x3FB6] =	sst s10  }
0x35: {  	s10 =	sld [smem:$0x3FB5];
	_ =	sdelay $0x3  }
0x36: {  	p1 =	seq.s32 s10, $0x1;
	s10 =	sld [smem:$0x3FB6];
	_ =	sdelay $0x3  }
0x37: {  	[smem:$0x3FB6] =	sst s10  }
0x38: {  	s10 =	sld [smem:$0x3FB7]  }
0x39: {  	_ = 	snop;
	(pc) =	sbr.ind lr, $3  }
0x3a: {  	_ = 	snop  }
0x3b: {  	_ = 	snop  }
0x3c: {  	p2 =	seq.s32 s10, $0x1;
	s10 =	sld [smem:$0x3FB6]  }
0x3d: {  	_ =	shalt  }
0x3e: {  	_ =	shalt  }
0x3f: {  	_ =	shalt  }
0x40: {  	_ =	shalt  }
0x41: {  	_ =	shalt  }
0x42: {  	_ =	shalt  }
0x43: {  	_ =	shalt  }
0x44: {  	_ =	shalt  }
0x45: {  	_ =	shalt  }
0x46: {  	_ =	shalt  }
0x47: {  	_ =	shalt  }
0x48: {  	_ =	shalt  }
0x49: {  	_ =	shalt  }
0x4a: {  	_ =	shalt  }
0x4b: {  	_ =	shalt  }
0x4c: {  	_ =	shalt  }
0x4d: {  	_ =	shalt  }
0x4e: {  	_ =	shalt  }
0x4f: {  	_ =	shalt  }
0x50: {  	_ =	shalt  }
0x51: {  	_ =	shalt  }
0x52: {  	_ =	shalt  }
0x53: {  	_ =	shalt  }
0x54: {  	_ =	shalt  }
0x55: {  	_ =	shalt  }
0x56: {  	_ =	shalt  }
0x57: {  	_ =	shalt  }
0x58: {  	_ =	shalt  }
0x59: {  	_ =	shalt  }
0x5a: {  	_ =	shalt  }
0x5b: {  	_ =	shalt  }
0x5c: {  	_ =	shalt  }
0x5d: {  	_ =	shalt  }
0x5e: {  	_ =	shalt  }
0x5f: {  	_ =	shalt  }
0x60: {  	_ =	shalt  }
0x61: {  	_ =	shalt  }
0x62: {  	_ =	shalt  }
0x63: {  	_ =	shalt  }
0x64: {  	_ =	shalt  }
0x65: {  	_ =	shalt  }
0x66: {  	_ =	shalt  }
0x67: {  	_ =	shalt  }
0x68: {  	_ =	shalt  }
0x69: {  	_ =	shalt  }
0x6a: {  	_ =	shalt  }
0x6b: {  	_ =	shalt  }
0x6c: {  	_ =	shalt  }
0x6d: {  	_ =	shalt  }
0x6e: {  	_ =	shalt  }
0x6f: {  	_ =	shalt  }
0x70: {  	_ =	shalt  }
0x71: {  	_ =	shalt  }
0x72: {  	_ =	shalt  }
0x73: {  	_ =	shalt  }
0x74: {  	_ =	shalt  }
0x75: {  	_ =	shalt  }
0x76: {  	_ =	shalt  }
0x77: {  	_ =	shalt  }
0x78: {  	_ =	shalt  }
0x79: {  	_ =	shalt  }
0x7a: {  	_ =	shalt  }
0x7b: {  	_ =	shalt  }
0x7c: {  	_ =	shalt  }
0x7d: {  	_ =	shalt  }
0x7e: {  	_ =	shalt  }
0x7f: {  	_ =	shalt  }
0x80: {  	_ =	shalt  }
0x81: {  	_ =	shalt  }
0x82: {  	_ =	shalt  }
0x83: {  	_ =	shalt  }
0x84: {  	_ =	shalt  }
0x85: {  	_ =	shalt  }
0x86: {  	_ =	shalt  }
0x87: {  	_ =	shalt  }
.Lfunc_end0:
.L_simem_size_0:
called_computation_lowered:
.L_overlay_start_0:
0x88: {  	s2 =	sld [smem:$0x3FD9]  }
0x89: {  	s3 =	sld [smem:$0x3FFE];
	_ =	sdelay $0x1  }
0x8a: {  	s1 =	srdreg.scid  }
0x8b: {  	s0 =	sand.u32 $0x1, s1  }
0x8c: {  	s17 =	sshll.u32 s0, $0xA;
	s2 =	sadd.s32 s3, s2  }
0x8d: {  	s2 =	sadd.s32 s2, s17  }
0x8e: {  	[smem:$0x3FC2] =	sst s2  }
0x8f: {  	_ = 	snop  }
0x90: {  	s2 =	sld [smem:$0x3FC9]  }
0x91: {  	s18 =	sld [smem:$0x3FD0];
	(tm) =	ssettm $0x1  }
0x92: {  	s4 =	sld [smem:$0x3FFB];
	_ =	sdelay $0x3  }
0x93: {  	_ =	strace s4  }
0x94: {  	s4 =	sld [smem:$0x3FFC];
	_ =	sdelay $0x3  }
0x95: {  	_ =	strace s4  }
0x96: {  	s4 =	sld [smem:$0x3FFD];
	_ =	sdelay $0x3  }
0x97: {  	_ =	strace s4  }
0x98: {  	_ =	strace $0x8FFFFFFF  }
0x99: {  	s19 =	sld [smem:$0x3FDB];
	_ =	sdelay $0x1  }
0x9a: {  	s5 =	simm.s32 $_scs_section_size  }
0x9b: {  	s6 =	simm.s32 $_size__tile_overlayer_lowered;
	s7 =	simm.s32 $_tile_overlayer_lowered  }
0x9c: {  	s22 =	simm.s32 $0x1BFF;
	s21 =	sshll.u32 s7, $0x1;
	s4 =	sadd.s32 s5, s19  }
0x9d: {  	s8 =	simm.s32 $0x0;
	s20 =	sshll.u32 s6, $0x1;
	s6 =	sadd.s32 s21, s4  }
0x9e: {  	[timem:s8], [sflag:s22] =	dma.local [hbm:s6], s20  }
0x9f: {  	_ =	swait.ge [sflag:s22], s20  }
0xa0: {  	s5 =	ssub.s32 $0x0, s20;
	[sflag:s22] =	ssyncset.done $0x0  }
0xa1: {  	[sflag:s22] =	ssyncadd.s32 s5;
	_ =	sdelay $0x1  }
0xa2: {  	s23 =	simm.s32 $0x1B8B  }
0xa3: {  	_ =	swait.ge [sflag:s23], $0x1  }
0xa4: {  	[sflag:s23] =	ssyncset.done $0x0  }
0xa5: {  	s25 =	simm.s32 $0x1B8E;
	s24 =	sld [smem:$0x3FFE];
	[sflag:s23] =	ssyncadd.s32 $0xFFFFFFFF  }
0xa6: {  	s26 =	simm.s32 $execute0_lowered;
	[smem:$0x3FD2] =	sst s25  }
0xa7: {  	s6 =	sshll.u32 s26, $0x1;
	_ =	strace $0x80000046;
	[dreg:$0x1] =	wrdreg $0xFFFFFFFF  }
0xa8: {  	s28 =	simm.s32 $_size_execute0_lowered;
	s4 =	sadd.s32 s4, s6;
	[dreg:$0x0] =	wrdreg $0x0  }
0xa9: {  	s6 =	sshll.u32 s28, $0x1;
	[dreg:$0x2] =	wrdreg s4  }
0xaa: {  	[dreg:$0x3] =	wrdreg s6  }
0xab: {  	[dreg:$0x4] =	wrdreg $0xC0  }
0xac: {  	_ =	task [dreg:s8], $0x5FFFF  }
0xad: {  	[dreg:$0x1] =	wrdreg $0xFFFFFFFF  }
0xae: {  	[dreg:$0x0] =	wrdreg $0x60  }
0xaf: {  	[dreg:$0x2] =	wrdreg s2  }
0xb0: {  	[dreg:$0x3] =	wrdreg s24  }
0xb1: {  	[dreg:$0x4] =	wrdreg s18  }
0xb2: {  	[dreg:$0x5] =	wrdreg $0x9  }
0xb3: {  	_ =	task.clear_ibuf [dreg:s8], $0x6FFFF;
	_ =	strace $0x90000046  }
0xb4: {  	s29 =	simm.s32 $0x9;
	_ =	strace $0x80000048  }
0xb5: {  	_ =	swait.ge [sflag:s29], $0x1  }
0xb6: {  	[sflag:s29] =	ssyncadd.s32 $0xFFFFFFFF  }
0xb7: {  	_ =	strace $0x90000048  }
0xb8: {  	_ =	sfence  }
0xb9: {  	s30 =	sld [smem:$0x0];
	_ =	sdelay $0x2  }
0xba: {  	s31 =	sshll.u32 s1, $0xD;
	s1 =	sshrl.u32 s1, $0x2  }
0xbb: {  	s3 =	sand.u32 $0x4000, s31;
	s1 =	sadd.s32 s1, s30  }
0xbc: {  	s0 =	sor.u32 s3, s0;
	s1 =	sshll.u32 s1, $0x11  }
0xbd: {  	s0 =	sor.u32 s1, s0  }
0xbe: {  	s0 =	sadd.s32 $0x8F2B, s0  }
0xbf: {  	[sflag:s0] =	ssyncadd.remote.s32 $0x1  }
0xc0: {  	_ =	sfence.sel $0xFFFF  }
0xc1: {  	[dreg:$0x0] =	wrdreg $0xFFFFFFFF;
	(pc) =	sbr.abs _section_cstart, $3  }
0xc2: {  	[dreg:$0x1] =	wrdreg $0xFFFFFFFF  }
0xc3: {  	_ =	task.clear_ibuf [dreg:s8], $0x2FFFF;
	_ =	strace $0x9FFFFFFF  }
0xc4: {  	(tm) =	ssettm $0x7FFFFFFF  }
0xc5: {  	_ =	shalt  }
tec
execute0_lowered:
.L_overlay_start_1:
0x0: {  	(tag) =	ssettag $0x1  }
0x1: {  	s1 =	rddreg [dreg:$0x0]  }
0x2: {  	s0 =	rddreg [dreg:$0x1]  }
0x3: {  	s3 =	rddreg [dreg:$0x2]  }
0x4: {  	s2 =	srdreg.scid;
	s4 =	simm.s32 $0x0;
	s5 =	stileid.u32  }
0x5: {  	s18 =	simm.s32 $0x4000;
	s19 =	simm.s32 $0x10000;
	s20 =	simm.s32 $0x5  }
0x6: {  	s21 =	simm.s32 $0x1;
	s22 =	simm.s32 $0x10020;
	s23 =	simm.s32 $0x8000  }
0x7: {  	s24 =	simm.s32 $0x2;
	s28 =	simm.s32 $0x4;
	s29 =	simm.s32 $0x0  }
0x8: {  	s2 =	sand.u32 $0x1, s2;
	[smem:$0x7FF] =	sst s4;
	s5 =	sshll.u32 s5, $0x9  }
0x9: {  	s0 =	sadd.s32 $0xA00, s0;
	s6 =	sshll.u32 s2, $0x8;
	s2 =	ssub.s32 $0x2, s2  }
0xa: {  	_ =	strace $0x80000047;
	s5 =	sor.u32 s6, s5;
	s25 =	sshrl.u32 s2, $0x1  }
0xb: {  	[dreg:$0x4] =	wrdreg s0;
	s6 =	sshll.u32 s5, $0x8;
	s0 =	ssub.s32 s2, s25  }
0xc: {  	s13 =	sor.u32 $0x10, s5;
	s14 =	sor.u32 $0x18, s5;
	s26 =	sor.u32 $0x800, s6  }
0xd: {  	s25 =	simm.s32 $0xC000;
	s7 =	sadd.s32 s1, s6;
	s8 =	sadd.s32 s1, s26  }
0xe: {  	s9 =	sadd.s32 s3, s6;
	s30 =	sadd.s32 $0x1000, s7;
	[dreg:$0x5] =	wrdreg s8  }
0xf: {  	s17 =	smax.u32 s0, $0x1;
	s2 =	sadd.s32 s3, s26;
	[dreg:$0x6] =	wrdreg s30  }
0x10: {  	s31 =	sadd.s32 $0x1800, s7;
	s15 =	sadd.s32 $0xF000, s9;
	[dreg:$0x7] =	wrdreg s2  }
0x11: {  	s16 =	sadd.s32 $0xF800, s9;
	s26 =	simm.s32 $0x3;
	[dreg:$0x8] =	wrdreg s31  }
.LBB2_1:
0x12: {  	[tilespmem:s4], [sflag:$0x1] =	stream.linear.gather [hbm4b:s7+s4], $0x4000, $0x38;
	[tilespmem:$0x10080] =	vst v63  }
0x13: {  	s0 =	rddreg [dreg:$0x5]  }
0x14: {  	[tilespmem:s18], [sflag:$0x2] =	stream.linear.gather [hbm4b:s0+s4], $0x4000, $0x38;
	[tilespmem:$0x10080] =	vst v63  }
0x15: {  	s10 =	rddreg [dreg:$0x4]  }
0x16: {  	[tilespmem:s19], [sflag:$0x5] =	stream.linear.gather [hbm4b:s10+s4], $0x80, $0x38;
	[tilespmem:$0x10080] =	vst v63  }
0x17: {  	_ =	swait.ge [sflag:s20], $0x80  }
0x18: {  	[sflag:s20] =	ssyncset.done $0x0  }
0x19: {  	[sflag:s20] =	ssyncadd.s32 $0xFFFFFF80  }
0x1a: {  	v0 =	vld [tilespmem:$0x10040]  }
0x1b: {  	v1 =	vld [tilespmem:$0x10050];
	_ =	swait.ge [sflag:s21], $0x4000  }
0x1c: {  	s11 =	sand.u32 $0x3C00, s4;
	s2 =	sand.u32 $0x380, s4;
	[sflag:s21] =	ssyncset.done $0x0  }
0x1d: {  	s30 =	sor.u32 s2, s11;
	[sflag:s21] =	ssyncadd.s32 $0xFFFFC000  }
0x1e: {  	v8 =	vld [tilespmem:s30+$0x70]  }
0x1f: {  	v3 =	vld [tilespmem:s30+$0x0]  }
0x20: {  	v2 =	vld [tilespmem:s30+$0x10]  }
0x21: {  	v4 =	vld [tilespmem:s30+$0x20]  }
0x22: {  	v11 =	vld [tilespmem:s30+$0x30]  }
0x23: {  	v15 =	vld [tilespmem:s30+$0x40]  }
0x24: {  	v14 =	vld [tilespmem:s30+$0x50]  }
0x25: {  	v16 =	vld [tilespmem:s30+$0x60]  }
0x26: {  	v5 =	vmul.f32 v8, v0;
	v6 =	vmul.f32 v3, v0  }
0x27: {  	v7 =	vmul.f32 v2, v0;
	v9 =	vmul.f32 v4, v0  }
0x28: {  	v10 =	vmul.f32 v11, v0;
	v12 =	vmul.f32 v15, v0  }
0x29: {  	v13 =	vmul.f32 v14, v0;
	v5 =	vadd.f32 v5, v1;
	v6 =	vadd.f32 v6, v1  }
0x2a: {  	v17 =	vmul.f32 v16, v0;
	v7 =	vadd.f32 v7, v1;
	v9 =	vadd.f32 v9, v1  }
0x2b: {  	s12 =	simm.s32 $0x8;
	s31 =	simm.s32 $0x400;
	v10 =	vadd.f32 v10, v1;
	v12 =	vadd.f32 v12, v1;
	v5 =	vmax.f32 v5, $0.0e+00  }
0x2c: {  	s2 =	sand.u32 $0x3C00, s31;
	s0 =	sand.u32 $0x380, s12;
	v13 =	vadd.f32 v13, v1;
	v17 =	vadd.f32 v17, v1;
	v5 =	vmin.f32 v5, $1.700000000e+01  }
0x2d: {  	s0 =	sor.u32 s0, s2;
	v6 =	vmax.f32 v6, $0.0e+00;
	v7 =	vmax.f32 v7, $0.0e+00;
	v5 =	vtrunc.f32 v5  }
0x2e: {  	v9 =	vmax.f32 v9, $0.0e+00;
	v18 =	vmax.f32 v13, $0.0e+00;
	v13 =	vld [tilespmem:s0+$0x70];
	v5 =	vcvt.f32.s32 v5  }
0x2f: {  	v10 =	vmax.f32 v10, $0.0e+00;
	v12 =	vmax.f32 v12, $0.0e+00;
	v7 =	vmin.f32 v7, $1.700000000e+01  }
0x30: {  	v9 =	vmin.f32 v9, $1.700000000e+01;
	v21 =	vtrunc.f32 v7;
	v7 =	vmin.f32 v12, $1.700000000e+01  }
0x31: {  	v9 =	vtrunc.f32 v9;
	v12 =	vmin.f32 v18, $1.700000000e+01;
	v18 =	vtrunc.f32 v7;
	v7 =	vld [tilespmem:s0+$0x10]  }
0x32: {  	v17 =	vmax.f32 v17, $0.0e+00;
	v22 =	vtrunc.f32 v12;
	v30 =	vcvt.f32.s32 v9;
	v12 =	vld [tilespmem:s0+$0x30]  }
0x33: {  	v17 =	vmin.f32 v17, $1.700000000e+01;
	v9 =	vld [tilespmem:s0+$0x60];
	v40 =	vcvt.f32.s32 v18;
	v23 =	vmul.f32 v13, v0  }
0x34: {  	v6 =	vmin.f32 v6, $1.700000000e+01;
	v27 =	vcvt.f32.s32 v21;
	v21 =	vtrunc.f32 v17;
	v19 =	vld.idx.msk [tilespmem:v5+s22+$0x0], $0xffff  }
0x35: {  	v17 =	vcvt.f32.s32 v22;
	v18 =	vcvt.f32.s32 v21;
	v23 =	vadd.f32 v23, v1;
	v20 =	vld.idx.msk [tilespmem:v5+s19+$0x0], $0xffff  }
0x36: {  	v21 =	vmul.f32 v7, v0;
	v5 =	vmin.f32 v10, $1.700000000e+01;
	v10 =	vtrunc.f32 v6;
	v6 =	vld [tilespmem:s0+$0x0]  }
0x37: {  	v24 =	vmul.f32 v12, v0;
	v25 =	vcvt.f32.s32 v10;
	v10 =	vld [tilespmem:s0+$0x20]  }
0x38: {  	v23 =	vmax.f32 v23, $0.0e+00;
	v28 =	vadd.f32 v21, v1;
	v21 =	vld.idx.msk [tilespmem:v30+s22+$0x0], $0xffff  }
0x39: {  	v5 =	vtrunc.f32 v5;
	v23 =	vmin.f32 v23, $1.700000000e+01;
	v33 =	vadd.f32 v24, v1;
	v24 =	vld.idx.msk [tilespmem:v40+s22+$0x0], $0xffff  }
0x3a: {  	v31 =	vcvt.f32.s32 v5;
	v5 =	vld [tilespmem:s0+$0x40];
	v23 =	vtrunc.f32 v23  }
0x3b: {  	v41 =	vcvt.f32.s32 v23;
	v23 =	vld.idx.msk [tilespmem:v17+s22+$0x0], $0xffff  }
0x3c: {  	v35 =	vmul.f32 v9, v0;
	v28 =	vmax.f32 v28, $0.0e+00;
	v19 =	vmul.f32 v19, v8;
	v8 =	vld [tilespmem:s0+$0x50]  }
0x3d: {  	v62 =	vmin.f32 v28, $1.700000000e+01;
	v28 =	vld.idx.msk [tilespmem:v27+s19+$0x0], $0xffff;
	v22 =	vmul.f32 v6, v0  }
0x3e: {  	v35 =	vadd.f32 v35, v1;
	v33 =	vmax.f32 v33, $0.0e+00;
	v39 =	vadd.f32 v19, v20;
	v19 =	vld.idx.msk [tilespmem:v25+s22+$0x0], $0xffff  }
0x3f: {  	v33 =	vmin.f32 v33, $1.700000000e+01;
	v26 =	vadd.f32 v22, v1;
	v22 =	vmul.f32 v10, v0;
	v20 =	vld.idx.msk [tilespmem:v27+s22+$0x0], $0xffff  }
0x40: {  	v42 =	vmax.f32 v35, $0.0e+00;
	v35 =	vtrunc.f32 v33;
	v32 =	vmul.f32 v5, v0;
	v27 =	vld.idx.msk [tilespmem:v30+s19+$0x0], $0xffff  }
0x41: {  	v30 =	vld.idx.msk [tilespmem:v31+s19+$0x0], $0xffff;
	v29 =	vadd.f32 v22, v1;
	v36 =	vmax.f32 v26, $0.0e+00;
	v34 =	vmul.f32 v8, v0  }
0x42: {  	v22 =	vld.idx.msk [tilespmem:v31+s22+$0x0], $0xffff;
	v32 =	vadd.f32 v32, v1;
	v31 =	vmin.f32 v42, $1.700000000e+01;
	v36 =	vmin.f32 v36, $1.700000000e+01  }
0x43: {  	v26 =	vld.idx.msk [tilespmem:v18+s22+$0x0], $0xffff;
	[tilespmem:s30+$0x8070] =	vst v39;
	v39 =	vtrunc.f32 v31;
	v37 =	vmax.f32 v29, $0.0e+00;
	v34 =	vadd.f32 v34, v1  }
0x44: {  	v29 =	vld.idx.msk [tilespmem:v25+s19+$0x0], $0xffff;
	v25 =	vmax.f32 v32, $0.0e+00;
	v43 =	vtrunc.f32 v36;
	v37 =	vmin.f32 v37, $1.700000000e+01  }
0x45: {  	v32 =	vld.idx.msk [tilespmem:v41+s22+$0x0], $0xffff;
	v25 =	vmin.f32 v25, $1.700000000e+01;
	v38 =	vmax.f32 v34, $0.0e+00;
	v34 =	vtrunc.f32 v62  }
0x46: {  	v33 =	vld.idx.msk [tilespmem:v41+s19+$0x0], $0xffff;
	v63 =	vmin.f32 v38, $1.700000000e+01;
	v38 =	vtrunc.f32 v37;
	v37 =	vtrunc.f32 v25  }
0x47: {  	s6 =	simm.s32 $0x10;
	s8 =	simm.s32 $0x800;
	s2 =	simm.s32 $0x80;
	v31 =	vld.idx.msk [tilespmem:v40+s19+$0x0], $0xffff;
	v25 =	vcvt.f32.s32 v43;
	v36 =	vtrunc.f32 v63  }
.LBB2_2:
0x48: {  	s10 =	sand.u32 $0x3C00, s8;
	s11 =	sand.u32 $0x380, s6;
	s2 =	sadd.s32 $0x80, s2;
	v34 =	vcvt.f32.s32 v34;
	v38 =	vcvt.f32.s32 v38;
	v40 =	vld.idx.msk [tilespmem:v17+s19+$0x0], $0xffff  }
0x49: {  	v41 =	vcvt.f32.s32 v35;
	v42 =	vcvt.f32.s32 v37;
	s10 =	sor.u32 s11, s10;
	p0 =	slt.u32 s2, $0x3F80;
	v35 =	vld.idx.msk [tilespmem:v18+s19+$0x0], $0xffff  }
0x4a: {  	v17 =	vcvt.f32.s32 v36;
	v32 =	vmul.f32 v32, v13;
	v13 =	vld [tilespmem:s10+$0x70]  }
0x4b: {  	v19 =	vmul.f32 v19, v3;
	v3 =	vmov v6;
	v18 =	vcvt.f32.s32 v39;
	v6 =	vld [tilespmem:s10+$0x0]  }
0x4c: {  	v20 =	vmul.f32 v20, v2;
	v21 =	vmul.f32 v21, v4;
	v2 =	vmovc v7;
	v32 =	vadd.f32 v32, v33;
	v7 =	vld [tilespmem:s10+$0x10]  }
0x4d: {  	v11 =	vmul.f32 v22, v11;
	v15 =	vmul.f32 v24, v15;
	v4 =	vmovc v10;
	v19 =	vadd.f32 v19, v29;
	v10 =	vld [tilespmem:s10+$0x20]  }
0x4e: {  	v14 =	vmul.f32 v23, v14;
	v16 =	vmul.f32 v26, v16;
	v20 =	vadd.f32 v20, v28;
	v29 =	vld [tilespmem:s10+$0x30];
	[tilespmem:s0+$0x8070] =	vst v32  }
0x4f: {  	v24 =	vadd.f32 v11, v30;
	v26 =	vld [tilespmem:s10+$0x40];
	v22 =	vmul.f32 v13, v0;
	[tilespmem:s30+$0x8000] =	vst v19;
	v19 =	vadd.f32 v21, v27  }
0x50: {  	v15 =	vadd.f32 v15, v31;
	v14 =	vadd.f32 v14, v40;
	v21 =	vmul.f32 v6, v0;
	v27 =	vld [tilespmem:s10+$0x50];
	[tilespmem:s30+$0x8010] =	vst v20  }
0x51: {  	v16 =	vadd.f32 v16, v35;
	v20 =	vmul.f32 v7, v0;
	v28 =	vld [tilespmem:s10+$0x60];
	v22 =	vadd.f32 v22, v1;
	[tilespmem:s30+$0x8020] =	vst v19  }
0x52: {  	v11 =	vmov v12;
	v23 =	vadd.f32 v21, v1;
	v21 =	vmul.f32 v10, v0;
	v19 =	vld.idx.msk [tilespmem:v25+s22+$0x0], $0xffff;
	[tilespmem:s30+$0x8030] =	vst v24  }
0x53: {  	v30 =	vadd.f32 v20, v1;
	v43 =	vmul.f32 v29, v0;
	v22 =	vmax.f32 v22, $0.0e+00;
	v20 =	vld.idx.msk [tilespmem:v34+s22+$0x0], $0xffff;
	[tilespmem:s30+$0x8040] =	vst v15  }
0x54: {  	v31 =	vadd.f32 v21, v1;
	v36 =	vmul.f32 v26, v0;
	v22 =	vmin.f32 v22, $1.700000000e+01;
	v21 =	vld.idx.msk [tilespmem:v38+s22+$0x0], $0xffff;
	[tilespmem:s30+$0x8050] =	vst v14  }
0x55: {  	v37 =	vadd.f32 v43, v1;
	v32 =	vmul.f32 v27, v0;
	v35 =	vtrunc.f32 v22;
	v22 =	vld.idx.msk [tilespmem:v41+s22+$0x0], $0xffff;
	[tilespmem:s30+$0x8060] =	vst v16;
	s30 =	smov.u32 s0;
	s0 =	smov.u32 s10  }
0x56: {  	v12 =	vmovc v29;
	v40 =	vadd.f32 v36, v1;
	v33 =	vmul.f32 v28, v0;
	v39 =	vcvt.f32.s32 v35;
	v24 =	vld.idx.msk [tilespmem:v42+s22+$0x0], $0xffff  }
0x57: {  	v15 =	vmovc v5;
	v29 =	vmax.f32 v23, $0.0e+00;
	v5 =	vmovc v26;
	v30 =	vmax.f32 v30, $0.0e+00;
	v32 =	vadd.f32 v32, v1;
	v23 =	vld.idx.msk [tilespmem:v17+s22+$0x0], $0xffff  }
0x58: {  	v14 =	vmovc v8;
	v8 =	vmovc v27;
	v31 =	vmax.f32 v31, $0.0e+00;
	v35 =	vmax.f32 v37, $0.0e+00;
	v33 =	vadd.f32 v33, v1;
	v26 =	vld.idx.msk [tilespmem:v18+s22+$0x0], $0xffff  }
0x59: {  	v16 =	vmovc v9;
	v36 =	vmin.f32 v29, $1.700000000e+01;
	v9 =	vmovc v28;
	v27 =	vmax.f32 v40, $0.0e+00;
	v32 =	vmax.f32 v32, $0.0e+00;
	v29 =	vld.idx.msk [tilespmem:v25+s19+$0x0], $0xffff  }
0x5a: {  	v25 =	vmin.f32 v30, $1.700000000e+01;
	v30 =	vmin.f32 v31, $1.700000000e+01;
	v31 =	vmax.f32 v33, $0.0e+00;
	v28 =	vld.idx.msk [tilespmem:v34+s19+$0x0], $0xffff  }
.Ltmp0:
0x5b: {  	v37 =	vmin.f32 v27, $1.700000000e+01;
	v33 =	vmin.f32 v35, $1.700000000e+01;
	v40 =	vmin.f32 v32, $1.700000000e+01;
	v27 =	vld.idx.msk [tilespmem:v38+s19+$0x0], $0xffff;
	(pc) =	sbr.rel @p0 .LBB2_2-.Ltmp0, $4  }
0x5c: {  	v43 =	vtrunc.f32 v36;
	v34 =	vtrunc.f32 v25;
	v31 =	vmin.f32 v31, $1.700000000e+01;
	v32 =	vld.idx.msk [tilespmem:v39+s22+$0x0], $0xffff  }
0x5d: {  	v38 =	vtrunc.f32 v30;
	v35 =	vtrunc.f32 v33;
	v30 =	vld.idx.msk [tilespmem:v41+s19+$0x0], $0xffff  }
0x5e: {  	v37 =	vtrunc.f32 v37;
	v36 =	vtrunc.f32 v40;
	v33 =	vld.idx.msk [tilespmem:v39+s19+$0x0], $0xffff  }
0x5f: {  	s6 =	sadd.s32 $0x8, s6;
	s8 =	sadd.s32 $0x400, s8;
	v25 =	vcvt.f32.s32 v43;
	v39 =	vtrunc.f32 v31;
	v31 =	vld.idx.msk [tilespmem:v42+s19+$0x0], $0xffff  }
0x60: {  	_ =	sdelay $0x1  }
0x61: {  	v34 =	vcvt.f32.s32 v34  }
0x62: {  	v38 =	vcvt.f32.s32 v38;
	v3 =	vmul.f32 v19, v3  }
0x63: {  	v35 =	vcvt.f32.s32 v35;
	v17 =	vld.idx.msk [tilespmem:v17+s19+$0x0], $0xffff  }
0x64: {  	v37 =	vcvt.f32.s32 v37;
	v18 =	vld.idx.msk [tilespmem:v18+s19+$0x0], $0xffff;
	v4 =	vmul.f32 v21, v4;
	v3 =	vadd.f32 v3, v29  }
0x65: {  	v36 =	vcvt.f32.s32 v36;
	v40 =	vld.idx.msk [tilespmem:v25+s22+$0x0], $0xffff  }
0x66: {  	v39 =	vcvt.f32.s32 v39;
	[tilespmem:s30+$0x8000] =	vst v3;
	v3 =	vadd.f32 v4, v27;
	v4 =	vld.idx.msk [tilespmem:v25+s19+$0x0], $0xffff  }
0x67: {  	v41 =	vld.idx.msk [tilespmem:v34+s22+$0x0], $0xffff  }
0x68: {  	v13 =	vmul.f32 v32, v13;
	v51 =	vld.idx.msk [tilespmem:v38+s22+$0x0], $0xffff  }
0x69: {  	v2 =	vmul.f32 v20, v2;
	v19 =	vld.idx.msk [tilespmem:v35+s22+$0x0], $0xffff  }
0x6a: {  	v13 =	vadd.f32 v13, v33;
	v20 =	vld.idx.msk [tilespmem:v37+s22+$0x0], $0xffff  }
0x6b: {  	v11 =	vmul.f32 v22, v11;
	v2 =	vadd.f32 v2, v28;
	v21 =	vld.idx.msk [tilespmem:v36+s22+$0x0], $0xffff  }
0x6c: {  	v15 =	vmul.f32 v24, v15;
	[tilespmem:s0+$0x8070] =	vst v13;
	v13 =	vld.idx.msk [tilespmem:v39+s22+$0x0], $0xffff  }
0x6d: {  	v14 =	vmul.f32 v23, v14;
	v11 =	vadd.f32 v11, v30;
	[tilespmem:s30+$0x8010] =	vst v2;
	v2 =	vld.idx.msk [tilespmem:v34+s19+$0x0], $0xffff  }
0x6e: {  	v16 =	vmul.f32 v26, v16;
	v15 =	vadd.f32 v15, v31;
	[tilespmem:s30+$0x8020] =	vst v3;
	v3 =	vld.idx.msk [tilespmem:v38+s19+$0x0], $0xffff  }
0x6f: {  	[tilespmem:s30+$0x8030] =	vst v11;
	v14 =	vadd.f32 v14, v17;
	v11 =	vld.idx.msk [tilespmem:v35+s19+$0x0], $0xffff;
	v6 =	vmul.f32 v40, v6  }
0x70: {  	v16 =	vadd.f32 v16, v18;
	[tilespmem:s30+$0x8040] =	vst v15;
	v15 =	vld.idx.msk [tilespmem:v37+s19+$0x0], $0xffff;
	v7 =	vmul.f32 v41, v7  }
0x71: {  	[tilespmem:s30+$0x8050] =	vst v14;
	v14 =	vld.idx.msk [tilespmem:v36+s19+$0x0], $0xffff;
	v4 =	vadd.f32 v6, v4;
	v10 =	vmul.f32 v51, v10  }
0x72: {  	[tilespmem:s30+$0x8060] =	vst v16;
	v6 =	vld.idx.msk [tilespmem:v39+s19+$0x0], $0xffff;
	v12 =	vmul.f32 v19, v12;
	v2 =	vadd.f32 v7, v2  }
0x73: {  	v5 =	vmul.f32 v20, v5;
	[tilespmem:s0+$0x8000] =	vst v4;
	v3 =	vadd.f32 v10, v3  }
0x74: {  	v4 =	vmul.f32 v21, v8;
	v7 =	vadd.f32 v12, v11;
	[tilespmem:s0+$0x8010] =	vst v2  }
0x75: {  	v5 =	vadd.f32 v5, v15;
	v2 =	vmul.f32 v13, v9;
	[tilespmem:s0+$0x8020] =	vst v3  }
0x76: {  	v3 =	vadd.f32 v4, v14;
	[tilespmem:s0+$0x8030] =	vst v7  }
0x77: {  	[tilespmem:s0+$0x8040] =	vst v5;
	v2 =	vadd.f32 v2, v6  }
0x78: {  	[tilespmem:s0+$0x8050] =	vst v3  }
0x79: {  	s10 =	simm.s32 $0x0;
	[tilespmem:s0+$0x8060] =	vst v2  }
0x7a: {  	[hbm4b:s9+s10] =	stream.linear.scatter [tilespmem:s23], [sflag:$0x3], $0x4000, $0x38;
	[tilespmem:$0x10080] =	vst v63  }
0x7b: {  	s2 =	rddreg [dreg:$0x6]  }
0x7c: {  	[tilespmem:s10], [sflag:$0x1] =	stream.linear.gather [hbm4b:s2+s10], $0x4000, $0x38;
	[tilespmem:$0x10080] =	vst v63  }
0x7d: {  	_ =	swait.ge [sflag:s24], $0x4000  }
0x7e: {  	s11 =	sand.u32 $0x3C00, s10;
	s0 =	sand.u32 $0x380, s10;
	[sflag:s24] =	ssyncset.done $0x0  }
0x7f: {  	s30 =	sor.u32 s0, s11;
	[sflag:s24] =	ssyncadd.s32 $0xFFFFC000  }
0x80: {  	v8 =	vld [tilespmem:s30+$0x4070]  }
0x81: {  	v3 =	vld [tilespmem:s30+$0x4000]  }
0x82: {  	v2 =	vld [tilespmem:s30+$0x4010]  }
0x83: {  	v4 =	vld [tilespmem:s30+$0x4020]  }
0x84: {  	v11 =	vld [tilespmem:s30+$0x4030]  }
0x85: {  	v15 =	vld [tilespmem:s30+$0x4040]  }
0x86: {  	v14 =	vld [tilespmem:s30+$0x4050]  }
0x87: {  	v16 =	vld [tilespmem:s30+$0x4060]  }
0x88: {  	v5 =	vmul.f32 v8, v0;
	v6 =	vmul.f32 v3, v0  }
0x89: {  	v7 =	vmul.f32 v2, v0;
	v9 =	vmul.f32 v4, v0  }
0x8a: {  	v10 =	vmul.f32 v11, v0;
	v12 =	vmul.f32 v15, v0  }
0x8b: {  	v13 =	vmul.f32 v14, v0;
	v5 =	vadd.f32 v5, v1;
	v6 =	vadd.f32 v6, v1  }
0x8c: {  	v17 =	vmul.f32 v16, v0;
	v7 =	vadd.f32 v7, v1;
	v9 =	vadd.f32 v9, v1  }
0x8d: {  	s12 =	simm.s32 $0x8;
	s31 =	simm.s32 $0x400;
	v10 =	vadd.f32 v10, v1;
	v12 =	vadd.f32 v12, v1;
	v5 =	vmax.f32 v5, $0.0e+00  }
0x8e: {  	s0 =	sand.u32 $0x380, s12;
	s2 =	sand.u32 $0x3C00, s31;
	v13 =	vadd.f32 v13, v1;
	v17 =	vadd.f32 v17, v1;
	v5 =	vmin.f32 v5, $1.700000000e+01  }
0x8f: {  	s0 =	sor.u32 s0, s2;
	v6 =	vmax.f32 v6, $0.0e+00;
	v7 =	vmax.f32 v7, $0.0e+00;
	v5 =	vtrunc.f32 v5  }
0x90: {  	v9 =	vmax.f32 v9, $0.0e+00;
	v18 =	vmax.f32 v13, $0.0e+00;
	v13 =	vld [tilespmem:s0+$0x4070];
	v5 =	vcvt.f32.s32 v5  }
0x91: {  	v10 =	vmax.f32 v10, $0.0e+00;
	v12 =	vmax.f32 v12, $0.0e+00;
	v7 =	vmin.f32 v7, $1.700000000e+01  }
0x92: {  	v9 =	vmin.f32 v9, $1.700000000e+01;
	v21 =	vtrunc.f32 v7;
	v7 =	vmin.f32 v12, $1.700000000e+01  }
0x93: {  	v9 =	vtrunc.f32 v9;
	v12 =	vmin.f32 v18, $1.700000000e+01;
	v18 =	vtrunc.f32 v7;
	v7 =	vld [tilespmem:s0+$0x4010]  }
0x94: {  	v17 =	vmax.f32 v17, $0.0e+00;
	v22 =	vtrunc.f32 v12;
	v30 =	vcvt.f32.s32 v9;
	v12 =	vld [tilespmem:s0+$0x4030]  }
0x95: {  	v17 =	vmin.f32 v17, $1.700000000e+01;
	v9 =	vld [tilespmem:s0+$0x4060];
	v52 =	vcvt.f32.s32 v18;
	v23 =	vmul.f32 v13, v0  }
0x96: {  	v6 =	vmin.f32 v6, $1.700000000e+01;
	v27 =	vcvt.f32.s32 v21;
	v21 =	vtrunc.f32 v17;
	v19 =	vld.idx.msk [tilespmem:v5+s22+$0x0], $0xffff  }
0x97: {  	v17 =	vcvt.f32.s32 v22;
	v18 =	vcvt.f32.s32 v21;
	v23 =	vadd.f32 v23, v1;
	v20 =	vld.idx.msk [tilespmem:v5+s19+$0x0], $0xffff  }
0x98: {  	v21 =	vmul.f32 v7, v0;
	v5 =	vmin.f32 v10, $1.700000000e+01;
	v10 =	vtrunc.f32 v6;
	v6 =	vld [tilespmem:s0+$0x4000]  }
0x99: {  	v24 =	vmul.f32 v12, v0;
	v25 =	vcvt.f32.s32 v10;
	v10 =	vld [tilespmem:s0+$0x4020]  }
0x9a: {  	v23 =	vmax.f32 v23, $0.0e+00;
	v28 =	vadd.f32 v21, v1;
	v21 =	vld.idx.msk [tilespmem:v30+s22+$0x0], $0xffff  }
0x9b: {  	v5 =	vtrunc.f32 v5;
	v23 =	vmin.f32 v23, $1.700000000e+01;
	v55 =	vadd.f32 v24, v1;
	v24 =	vld.idx.msk [tilespmem:v52+s22+$0x0], $0xffff  }
0x9c: {  	v31 =	vcvt.f32.s32 v5;
	v5 =	vld [tilespmem:s0+$0x4040];
	v23 =	vtrunc.f32 v23  }
0x9d: {  	v57 =	vcvt.f32.s32 v23;
	v23 =	vld.idx.msk [tilespmem:v17+s22+$0x0], $0xffff  }
0x9e: {  	v58 =	vmul.f32 v9, v0;
	v28 =	vmax.f32 v28, $0.0e+00;
	v19 =	vmul.f32 v19, v8;
	v8 =	vld [tilespmem:s0+$0x4050]  }
0x9f: {  	v62 =	vmin.f32 v28, $1.700000000e+01;
	v28 =	vld.idx.msk [tilespmem:v27+s19+$0x0], $0xffff;
	v22 =	vmul.f32 v6, v0  }
0xa0: {  	v35 =	vadd.f32 v58, v1;
	v33 =	vmax.f32 v55, $0.0e+00;
	v53 =	vadd.f32 v19, v20;
	v19 =	vld.idx.msk [tilespmem:v25+s22+$0x0], $0xffff  }
0xa1: {  	v33 =	vmin.f32 v33, $1.700000000e+01;
	v26 =	vadd.f32 v22, v1;
	v22 =	vmul.f32 v10, v0;
	v20 =	vld.idx.msk [tilespmem:v27+s22+$0x0], $0xffff  }
0xa2: {  	v42 =	vmax.f32 v35, $0.0e+00;
	v35 =	vtrunc.f32 v33;
	v54 =	vmul.f32 v5, v0;
	v27 =	vld.idx.msk [tilespmem:v30+s19+$0x0], $0xffff  }
0xa3: {  	v30 =	vld.idx.msk [tilespmem:v31+s19+$0x0], $0xffff;
	v29 =	vadd.f32 v22, v1;
	v59 =	vmax.f32 v26, $0.0e+00;
	v56 =	vmul.f32 v8, v0  }
0xa4: {  	v22 =	vld.idx.msk [tilespmem:v31+s22+$0x0], $0xffff;
	v32 =	vadd.f32 v54, v1;
	v31 =	vmin.f32 v42, $1.700000000e+01;
	v36 =	vmin.f32 v59, $1.700000000e+01  }
0xa5: {  	v26 =	vld.idx.msk [tilespmem:v18+s22+$0x0], $0xffff;
	v39 =	vtrunc.f32 v31;
	v60 =	vmax.f32 v29, $0.0e+00;
	v34 =	vadd.f32 v56, v1  }
0xa6: {  	v29 =	vld.idx.msk [tilespmem:v25+s19+$0x0], $0xffff;
	v25 =	vmax.f32 v32, $0.0e+00;
	v43 =	vtrunc.f32 v36;
	v37 =	vmin.f32 v60, $1.700000000e+01  }
0xa7: {  	v32 =	vld.idx.msk [tilespmem:v57+s22+$0x0], $0xffff;
	v25 =	vmin.f32 v25, $1.700000000e+01;
	v38 =	vtrunc.f32 v37;
	v61 =	vmax.f32 v34, $0.0e+00  }
0xa8: {  	v33 =	vld.idx.msk [tilespmem:v57+s19+$0x0], $0xffff;
	v37 =	vtrunc.f32 v25;
	v25 =	vcvt.f32.s32 v43;
	v63 =	vmin.f32 v61, $1.700000000e+01  }
0xa9: {  	s6 =	simm.s32 $0x10;
	s8 =	simm.s32 $0x800;
	s2 =	simm.s32 $0x80;
	[tilespmem:s30+$0xC070] =	vst v53;
	v31 =	vld.idx.msk [tilespmem:v52+s19+$0x0], $0xffff;
	v34 =	vtrunc.f32 v62;
	v36 =	vtrunc.f32 v63  }
.LBB2_4:
0xaa: {  	s10 =	sand.u32 $0x3C00, s8;
	s11 =	sand.u32 $0x380, s6;
	s2 =	sadd.s32 $0x80, s2;
	v34 =	vcvt.f32.s32 v34;
	v38 =	vcvt.f32.s32 v38;
	v40 =	vld.idx.msk [tilespmem:v17+s19+$0x0], $0xffff  }
0xab: {  	v41 =	vcvt.f32.s32 v35;
	v42 =	vcvt.f32.s32 v37;
	s10 =	sor.u32 s11, s10;
	p0 =	slt.u32 s2, $0x3F80;
	v35 =	vld.idx.msk [tilespmem:v18+s19+$0x0], $0xffff  }
0xac: {  	v17 =	vcvt.f32.s32 v36;
	v32 =	vmul.f32 v32, v13;
	v13 =	vld [tilespmem:s10+$0x4070]  }
0xad: {  	v19 =	vmul.f32 v19, v3;
	v3 =	vmov v6;
	v18 =	vcvt.f32.s32 v39;
	v6 =	vld [tilespmem:s10+$0x4000]  }
0xae: {  	v20 =	vmul.f32 v20, v2;
	v21 =	vmul.f32 v21, v4;
	v2 =	vmovc v7;
	v32 =	vadd.f32 v32, v33;
	v7 =	vld [tilespmem:s10+$0x4010]  }
0xaf: {  	v11 =	vmul.f32 v22, v11;
	v15 =	vmul.f32 v24, v15;
	v4 =	vmovc v10;
	v19 =	vadd.f32 v19, v29;
	v10 =	vld [tilespmem:s10+$0x4020]  }
0xb0: {  	v14 =	vmul.f32 v23, v14;
	v16 =	vmul.f32 v26, v16;
	v20 =	vadd.f32 v20, v28;
	v29 =	vld [tilespmem:s10+$0x4030];
	[tilespmem:s0+$0xC070] =	vst v32  }
0xb1: {  	v24 =	vadd.f32 v11, v30;
	v26 =	vld [tilespmem:s10+$0x4040];
	v22 =	vmul.f32 v13, v0;
	[tilespmem:s30+$0xC000] =	vst v19;
	v19 =	vadd.f32 v21, v27  }
0xb2: {  	v15 =	vadd.f32 v15, v31;
	v14 =	vadd.f32 v14, v40;
	v21 =	vmul.f32 v6, v0;
	v27 =	vld [tilespmem:s10+$0x4050];
	[tilespmem:s30+$0xC010] =	vst v20  }
0xb3: {  	v16 =	vadd.f32 v16, v35;
	v20 =	vmul.f32 v7, v0;
	v28 =	vld [tilespmem:s10+$0x4060];
	v22 =	vadd.f32 v22, v1;
	[tilespmem:s30+$0xC020] =	vst v19  }
0xb4: {  	v11 =	vmov v12;
	v23 =	vadd.f32 v21, v1;
	v21 =	vmul.f32 v10, v0;
	v19 =	vld.idx.msk [tilespmem:v25+s22+$0x0], $0xffff;
	[tilespmem:s30+$0xC030] =	vst v24  }
0xb5: {  	v30 =	vadd.f32 v20, v1;
	v43 =	vmul.f32 v29, v0;
	v22 =	vmax.f32 v22, $0.0e+00;
	v20 =	vld.idx.msk [tilespmem:v34+s22+$0x0], $0xffff;
	[tilespmem:s30+$0xC040] =	vst v15  }
0xb6: {  	v31 =	vadd.f32 v21, v1;
	v36 =	vmul.f32 v26, v0;
	v22 =	vmin.f32 v22, $1.700000000e+01;
	v21 =	vld.idx.msk [tilespmem:v38+s22+$0x0], $0xffff;
	[tilespmem:s30+$0xC050] =	vst v14  }
0xb7: {  	v37 =	vadd.f32 v43, v1;
	v32 =	vmul.f32 v27, v0;
	v35 =	vtrunc.f32 v22;
	v22 =	vld.idx.msk [tilespmem:v41+s22+$0x0], $0xffff;
	[tilespmem:s30+$0xC060] =	vst v16;
	s30 =	smov.u32 s0;
	s0 =	smov.u32 s10  }
0xb8: {  	v12 =	vmovc v29;
	v40 =	vadd.f32 v36, v1;
	v33 =	vmul.f32 v28, v0;
	v39 =	vcvt.f32.s32 v35;
	v24 =	vld.idx.msk [tilespmem:v42+s22+$0x0], $0xffff  }
0xb9: {  	v15 =	vmovc v5;
	v29 =	vmax.f32 v23, $0.0e+00;
	v5 =	vmovc v26;
	v30 =	vmax.f32 v30, $0.0e+00;
	v32 =	vadd.f32 v32, v1;
	v23 =	vld.idx.msk [tilespmem:v17+s22+$0x0], $0xffff  }
0xba: {  	v14 =	vmovc v8;
	v8 =	vmovc v27;
	v31 =	vmax.f32 v31, $0.0e+00;
	v35 =	vmax.f32 v37, $0.0e+00;
	v33 =	vadd.f32 v33, v1;
	v26 =	vld.idx.msk [tilespmem:v18+s22+$0x0], $0xffff  }
0xbb: {  	v16 =	vmovc v9;
	v36 =	vmin.f32 v29, $1.700000000e+01;
	v9 =	vmovc v28;
	v27 =	vmax.f32 v40, $0.0e+00;
	v32 =	vmax.f32 v32, $0.0e+00;
	v29 =	vld.idx.msk [tilespmem:v25+s19+$0x0], $0xffff  }
0xbc: {  	v25 =	vmin.f32 v30, $1.700000000e+01;
	v30 =	vmin.f32 v31, $1.700000000e+01;
	v31 =	vmax.f32 v33, $0.0e+00;
	v28 =	vld.idx.msk [tilespmem:v34+s19+$0x0], $0xffff  }
.Ltmp1:
0xbd: {  	v37 =	vmin.f32 v27, $1.700000000e+01;
	v33 =	vmin.f32 v35, $1.700000000e+01;
	v40 =	vmin.f32 v32, $1.700000000e+01;
	v27 =	vld.idx.msk [tilespmem:v38+s19+$0x0], $0xffff;
	(pc) =	sbr.rel @p0 .LBB2_4-.Ltmp1, $4  }
0xbe: {  	v43 =	vtrunc.f32 v36;
	v34 =	vtrunc.f32 v25;
	v31 =	vmin.f32 v31, $1.700000000e+01;
	v32 =	vld.idx.msk [tilespmem:v39+s22+$0x0], $0xffff  }
0xbf: {  	v38 =	vtrunc.f32 v30;
	v35 =	vtrunc.f32 v33;
	v30 =	vld.idx.msk [tilespmem:v41+s19+$0x0], $0xffff  }
0xc0: {  	v37 =	vtrunc.f32 v37;
	v36 =	vtrunc.f32 v40;
	v33 =	vld.idx.msk [tilespmem:v39+s19+$0x0], $0xffff  }
0xc1: {  	s6 =	sadd.s32 $0x8, s6;
	s8 =	sadd.s32 $0x400, s8;
	v25 =	vcvt.f32.s32 v43;
	v39 =	vtrunc.f32 v31;
	v31 =	vld.idx.msk [tilespmem:v42+s19+$0x0], $0xffff  }
0xc2: {  	_ =	sdelay $0x1  }
0xc3: {  	v34 =	vcvt.f32.s32 v34  }
0xc4: {  	v38 =	vcvt.f32.s32 v38  }
0xc5: {  	v35 =	vcvt.f32.s32 v35;
	v17 =	vld.idx.msk [tilespmem:v17+s19+$0x0], $0xffff  }
0xc6: {  	v37 =	vcvt.f32.s32 v37;
	v18 =	vld.idx.msk [tilespmem:v18+s19+$0x0], $0xffff  }
0xc7: {  	v36 =	vcvt.f32.s32 v36;
	v40 =	vld.idx.msk [tilespmem:v25+s22+$0x0], $0xffff  }
0xc8: {  	v39 =	vcvt.f32.s32 v39;
	v57 =	vld.idx.msk [tilespmem:v25+s19+$0x0], $0xffff  }
0xc9: {  	v3 =	vmul.f32 v19, v3;
	v41 =	vld.idx.msk [tilespmem:v34+s22+$0x0], $0xffff  }
0xca: {  	v2 =	vmul.f32 v20, v2;
	v52 =	vld.idx.msk [tilespmem:v38+s22+$0x0], $0xffff  }
0xcb: {  	v11 =	vmul.f32 v22, v11;
	v3 =	vadd.f32 v3, v29;
	v53 =	vld.idx.msk [tilespmem:v35+s22+$0x0], $0xffff  }
0xcc: {  	v4 =	vmul.f32 v21, v4;
	v2 =	vadd.f32 v2, v28;
	v54 =	vld.idx.msk [tilespmem:v37+s22+$0x0], $0xffff  }
0xcd: {  	v13 =	vmul.f32 v32, v13;
	v11 =	vadd.f32 v11, v30;
	[tilespmem:s30+$0xC000] =	vst v3;
	v55 =	vld.idx.msk [tilespmem:v36+s22+$0x0], $0xffff  }
0xce: {  	v15 =	vmul.f32 v24, v15;
	v3 =	vadd.f32 v4, v27;
	[tilespmem:s30+$0xC010] =	vst v2;
	v56 =	vld.idx.msk [tilespmem:v39+s22+$0x0], $0xffff  }
0xcf: {  	v14 =	vmul.f32 v23, v14;
	v13 =	vadd.f32 v13, v33;
	[tilespmem:s30+$0xC030] =	vst v11;
	v2 =	vld.idx.msk [tilespmem:v34+s19+$0x0], $0xffff  }
0xd0: {  	v16 =	vmul.f32 v26, v16;
	v15 =	vadd.f32 v15, v31;
	[tilespmem:s30+$0xC020] =	vst v3;
	v3 =	vld.idx.msk [tilespmem:v38+s19+$0x0], $0xffff  }
0xd1: {  	[tilespmem:s0+$0xC070] =	vst v13;
	v14 =	vadd.f32 v14, v17;
	v58 =	vld.idx.msk [tilespmem:v35+s19+$0x0], $0xffff;
	v6 =	vmul.f32 v40, v6  }
0xd2: {  	v16 =	vadd.f32 v16, v18;
	[tilespmem:s30+$0xC040] =	vst v15;
	v59 =	vld.idx.msk [tilespmem:v37+s19+$0x0], $0xffff;
	v7 =	vmul.f32 v41, v7  }
0xd3: {  	v60 =	vld.idx.msk [tilespmem:v36+s19+$0x0], $0xffff;
	[tilespmem:s30+$0xC050] =	vst v14;
	v4 =	vadd.f32 v6, v57;
	v10 =	vmul.f32 v52, v10  }
0xd4: {  	v61 =	vld.idx.msk [tilespmem:v39+s19+$0x0], $0xffff;
	[tilespmem:s30+$0xC060] =	vst v16;
	v12 =	vmul.f32 v53, v12;
	v2 =	vadd.f32 v7, v2  }
0xd5: {  	[tilespmem:s0+$0xC000] =	vst v4;
	v5 =	vmul.f32 v54, v5;
	v3 =	vadd.f32 v10, v3  }
0xd6: {  	v62 =	vmul.f32 v55, v8;
	v63 =	vadd.f32 v12, v58;
	[tilespmem:s0+$0xC010] =	vst v2  }
0xd7: {  	v5 =	vadd.f32 v5, v59;
	v2 =	vmul.f32 v56, v9;
	[tilespmem:s0+$0xC020] =	vst v3  }
0xd8: {  	v3 =	vadd.f32 v62, v60;
	[tilespmem:s0+$0xC030] =	vst v63  }
0xd9: {  	[tilespmem:s0+$0xC040] =	vst v5;
	v2 =	vadd.f32 v2, v61  }
0xda: {  	[tilespmem:s0+$0xC050] =	vst v3  }
0xdb: {  	[tilespmem:s0+$0xC060] =	vst v2  }
0xdc: {  	s0 =	rddreg [dreg:$0x7]  }
0xdd: {  	[hbm4b:s0+s4] =	stream.linear.scatter [tilespmem:s25], [sflag:$0x4], $0x4000, $0x38;
	[tilespmem:$0x10080] =	vst v63  }
0xde: {  	s30 =	simm.s32 $0x1;
	s31 =	rddreg [dreg:$0x8]  }
0xdf: {  	[tilespmem:s18], [sflag:$0x2] =	stream.linear.gather [hbm4b:s31+s4], $0x4000, $0x38;
	[tilespmem:$0x10080] =	vst v63  }
.LBB2_6:
0xe0: {  	_ =	swait.ge [sflag:s21], $0x4000  }
0xe1: {  	[sflag:s21] =	ssyncset.done $0x0  }
0xe2: {  	[sflag:s21] =	ssyncadd.s32 $0xFFFFC000  }
0xe3: {  	s0 =	simm.s32 $0x0;
	_ =	swait.ge [sflag:s26], $0x4000  }
0xe4: {  	s2 =	sand.u32 $0x3C00, s0;
	s0 =	sand.u32 $0x380, s0;
	[sflag:s26] =	ssyncset.done $0x0  }
0xe5: {  	s31 =	sor.u32 s0, s2;
	[sflag:s26] =	ssyncadd.s32 $0xFFFFC000  }
0xe6: {  	v8 =	vld [tilespmem:s31+$0x70]  }
0xe7: {  	v3 =	vld [tilespmem:s31+$0x0]  }
0xe8: {  	v2 =	vld [tilespmem:s31+$0x10]  }
0xe9: {  	v4 =	vld [tilespmem:s31+$0x20]  }
0xea: {  	v11 =	vld [tilespmem:s31+$0x30]  }
0xeb: {  	v15 =	vld [tilespmem:s31+$0x40]  }
0xec: {  	v14 =	vld [tilespmem:s31+$0x50]  }
0xed: {  	v16 =	vld [tilespmem:s31+$0x60]  }
0xee: {  	v5 =	vmul.f32 v8, v0;
	v6 =	vmul.f32 v3, v0  }
0xef: {  	v7 =	vmul.f32 v2, v0;
	v9 =	vmul.f32 v4, v0  }
0xf0: {  	v10 =	vmul.f32 v11, v0;
	v12 =	vmul.f32 v15, v0  }
0xf1: {  	v13 =	vmul.f32 v14, v0;
	v5 =	vadd.f32 v5, v1;
	v6 =	vadd.f32 v6, v1  }
0xf2: {  	v17 =	vmul.f32 v16, v0;
	v7 =	vadd.f32 v7, v1;
	v9 =	vadd.f32 v9, v1  }
0xf3: {  	s11 =	simm.s32 $0x8;
	s12 =	simm.s32 $0x400;
	v10 =	vadd.f32 v10, v1;
	v12 =	vadd.f32 v12, v1;
	v5 =	vmax.f32 v5, $0.0e+00  }
0xf4: {  	s2 =	sand.u32 $0x3C00, s12;
	s0 =	sand.u32 $0x380, s11;
	v13 =	vadd.f32 v13, v1;
	v17 =	vadd.f32 v17, v1;
	v5 =	vmin.f32 v5, $1.700000000e+01  }
0xf5: {  	s0 =	sor.u32 s0, s2;
	v6 =	vmax.f32 v6, $0.0e+00;
	v7 =	vmax.f32 v7, $0.0e+00;
	v5 =	vtrunc.f32 v5  }
0xf6: {  	v9 =	vmax.f32 v9, $0.0e+00;
	v18 =	vmax.f32 v13, $0.0e+00;
	v13 =	vld [tilespmem:s0+$0x70];
	v5 =	vcvt.f32.s32 v5  }
0xf7: {  	v10 =	vmax.f32 v10, $0.0e+00;
	v12 =	vmax.f32 v12, $0.0e+00;
	v7 =	vmin.f32 v7, $1.700000000e+01  }
0xf8: {  	v9 =	vmin.f32 v9, $1.700000000e+01;
	v21 =	vtrunc.f32 v7;
	v7 =	vmin.f32 v12, $1.700000000e+01  }
0xf9: {  	v9 =	vtrunc.f32 v9;
	v12 =	vmin.f32 v18, $1.700000000e+01;
	v18 =	vtrunc.f32 v7;
	v7 =	vld [tilespmem:s0+$0x10]  }
0xfa: {  	v17 =	vmax.f32 v17, $0.0e+00;
	v22 =	vtrunc.f32 v12;
	v30 =	vcvt.f32.s32 v9;
	v12 =	vld [tilespmem:s0+$0x30]  }
0xfb: {  	v17 =	vmin.f32 v17, $1.700000000e+01;
	v9 =	vld [tilespmem:s0+$0x60];
	v40 =	vcvt.f32.s32 v18;
	v23 =	vmul.f32 v13, v0  }
0xfc: {  	v6 =	vmin.f32 v6, $1.700000000e+01;
	v27 =	vcvt.f32.s32 v21;
	v21 =	vtrunc.f32 v17;
	v19 =	vld.idx.msk [tilespmem:v5+s22+$0x0], $0xffff  }
0xfd: {  	v17 =	vcvt.f32.s32 v22;
	v18 =	vcvt.f32.s32 v21;
	v23 =	vadd.f32 v23, v1;
	v20 =	vld.idx.msk [tilespmem:v5+s19+$0x0], $0xffff  }
0xfe: {  	v21 =	vmul.f32 v7, v0;
	v5 =	vmin.f32 v10, $1.700000000e+01;
	v10 =	vtrunc.f32 v6;
	v6 =	vld [tilespmem:s0+$0x0]  }
0xff: {  	v24 =	vmul.f32 v12, v0;
	v25 =	vcvt.f32.s32 v10;
	v10 =	vld [tilespmem:s0+$0x20]  }
0x100: {  	v23 =	vmax.f32 v23, $0.0e+00;
	v28 =	vadd.f32 v21, v1;
	v21 =	vld.idx.msk [tilespmem:v30+s22+$0x0], $0xffff  }
0x101: {  	v5 =	vtrunc.f32 v5;
	v23 =	vmin.f32 v23, $1.700000000e+01;
	v33 =	vadd.f32 v24, v1;
	v24 =	vld.idx.msk [tilespmem:v40+s22+$0x0], $0xffff  }
0x102: {  	v31 =	vcvt.f32.s32 v5;
	v5 =	vld [tilespmem:s0+$0x40];
	v23 =	vtrunc.f32 v23  }
0x103: {  	v41 =	vcvt.f32.s32 v23;
	v23 =	vld.idx.msk [tilespmem:v17+s22+$0x0], $0xffff  }
0x104: {  	v35 =	vmul.f32 v9, v0;
	v28 =	vmax.f32 v28, $0.0e+00;
	v19 =	vmul.f32 v19, v8;
	v8 =	vld [tilespmem:s0+$0x50]  }
0x105: {  	v62 =	vmin.f32 v28, $1.700000000e+01;
	v28 =	vld.idx.msk [tilespmem:v27+s19+$0x0], $0xffff;
	v22 =	vmul.f32 v6, v0  }
0x106: {  	v35 =	vadd.f32 v35, v1;
	v33 =	vmax.f32 v33, $0.0e+00;
	v39 =	vadd.f32 v19, v20;
	v19 =	vld.idx.msk [tilespmem:v25+s22+$0x0], $0xffff  }
0x107: {  	v33 =	vmin.f32 v33, $1.700000000e+01;
	v26 =	vadd.f32 v22, v1;
	v22 =	vmul.f32 v10, v0;
	v20 =	vld.idx.msk [tilespmem:v27+s22+$0x0], $0xffff  }
0x108: {  	v42 =	vmax.f32 v35, $0.0e+00;
	v35 =	vtrunc.f32 v33;
	v32 =	vmul.f32 v5, v0;
	v27 =	vld.idx.msk [tilespmem:v30+s19+$0x0], $0xffff  }
0x109: {  	v30 =	vld.idx.msk [tilespmem:v31+s19+$0x0], $0xffff;
	v29 =	vadd.f32 v22, v1;
	v36 =	vmax.f32 v26, $0.0e+00;
	v34 =	vmul.f32 v8, v0  }
0x10a: {  	v22 =	vld.idx.msk [tilespmem:v31+s22+$0x0], $0xffff;
	v32 =	vadd.f32 v32, v1;
	v31 =	vmin.f32 v42, $1.700000000e+01;
	v36 =	vmin.f32 v36, $1.700000000e+01  }
0x10b: {  	v26 =	vld.idx.msk [tilespmem:v18+s22+$0x0], $0xffff;
	[tilespmem:s31+$0x8070] =	vst v39;
	v39 =	vtrunc.f32 v31;
	v37 =	vmax.f32 v29, $0.0e+00;
	v34 =	vadd.f32 v34, v1  }
0x10c: {  	v29 =	vld.idx.msk [tilespmem:v25+s19+$0x0], $0xffff;
	v25 =	vmax.f32 v32, $0.0e+00;
	v43 =	vtrunc.f32 v36;
	v37 =	vmin.f32 v37, $1.700000000e+01  }
0x10d: {  	v32 =	vld.idx.msk [tilespmem:v41+s22+$0x0], $0xffff;
	v25 =	vmin.f32 v25, $1.700000000e+01;
	v38 =	vmax.f32 v34, $0.0e+00;
	v34 =	vtrunc.f32 v62  }
0x10e: {  	v33 =	vld.idx.msk [tilespmem:v41+s19+$0x0], $0xffff;
	v63 =	vmin.f32 v38, $1.700000000e+01;
	v38 =	vtrunc.f32 v37;
	v37 =	vtrunc.f32 v25  }
0x10f: {  	s6 =	simm.s32 $0x10;
	s8 =	simm.s32 $0x800;
	s2 =	simm.s32 $0x80;
	v31 =	vld.idx.msk [tilespmem:v40+s19+$0x0], $0xffff;
	v25 =	vcvt.f32.s32 v43;
	v36 =	vtrunc.f32 v63  }
.LBB2_7:
0x110: {  	s10 =	sand.u32 $0x3C00, s8;
	s11 =	sand.u32 $0x380, s6;
	s2 =	sadd.s32 $0x80, s2;
	v34 =	vcvt.f32.s32 v34;
	v38 =	vcvt.f32.s32 v38;
	v40 =	vld.idx.msk [tilespmem:v17+s19+$0x0], $0xffff  }
0x111: {  	v41 =	vcvt.f32.s32 v35;
	v42 =	vcvt.f32.s32 v37;
	s10 =	sor.u32 s11, s10;
	p0 =	slt.u32 s2, $0x3F80;
	v35 =	vld.idx.msk [tilespmem:v18+s19+$0x0], $0xffff  }
0x112: {  	v17 =	vcvt.f32.s32 v36;
	v32 =	vmul.f32 v32, v13;
	v13 =	vld [tilespmem:s10+$0x70]  }
0x113: {  	v19 =	vmul.f32 v19, v3;
	v3 =	vmov v6;
	v18 =	vcvt.f32.s32 v39;
	v6 =	vld [tilespmem:s10+$0x0]  }
0x114: {  	v20 =	vmul.f32 v20, v2;
	v21 =	vmul.f32 v21, v4;
	v2 =	vmovc v7;
	v32 =	vadd.f32 v32, v33;
	v7 =	vld [tilespmem:s10+$0x10]  }
0x115: {  	v11 =	vmul.f32 v22, v11;
	v15 =	vmul.f32 v24, v15;
	v4 =	vmovc v10;
	v19 =	vadd.f32 v19, v29;
	v10 =	vld [tilespmem:s10+$0x20]  }
0x116: {  	v14 =	vmul.f32 v23, v14;
	v16 =	vmul.f32 v26, v16;
	v20 =	vadd.f32 v20, v28;
	v29 =	vld [tilespmem:s10+$0x30];
	[tilespmem:s0+$0x8070] =	vst v32  }
0x117: {  	v24 =	vadd.f32 v11, v30;
	v26 =	vld [tilespmem:s10+$0x40];
	v22 =	vmul.f32 v13, v0;
	[tilespmem:s31+$0x8000] =	vst v19;
	v19 =	vadd.f32 v21, v27  }
0x118: {  	v15 =	vadd.f32 v15, v31;
	v14 =	vadd.f32 v14, v40;
	v21 =	vmul.f32 v6, v0;
	v27 =	vld [tilespmem:s10+$0x50];
	[tilespmem:s31+$0x8010] =	vst v20  }
0x119: {  	v16 =	vadd.f32 v16, v35;
	v20 =	vmul.f32 v7, v0;
	v28 =	vld [tilespmem:s10+$0x60];
	v22 =	vadd.f32 v22, v1;
	[tilespmem:s31+$0x8020] =	vst v19  }
0x11a: {  	v11 =	vmov v12;
	v23 =	vadd.f32 v21, v1;
	v21 =	vmul.f32 v10, v0;
	v19 =	vld.idx.msk [tilespmem:v25+s22+$0x0], $0xffff;
	[tilespmem:s31+$0x8030] =	vst v24  }
0x11b: {  	v30 =	vadd.f32 v20, v1;
	v43 =	vmul.f32 v29, v0;
	v22 =	vmax.f32 v22, $0.0e+00;
	v20 =	vld.idx.msk [tilespmem:v34+s22+$0x0], $0xffff;
	[tilespmem:s31+$0x8040] =	vst v15  }
0x11c: {  	v31 =	vadd.f32 v21, v1;
	v36 =	vmul.f32 v26, v0;
	v22 =	vmin.f32 v22, $1.700000000e+01;
	v21 =	vld.idx.msk [tilespmem:v38+s22+$0x0], $0xffff;
	[tilespmem:s31+$0x8050] =	vst v14  }
0x11d: {  	v37 =	vadd.f32 v43, v1;
	v32 =	vmul.f32 v27, v0;
	v35 =	vtrunc.f32 v22;
	v22 =	vld.idx.msk [tilespmem:v41+s22+$0x0], $0xffff;
	[tilespmem:s31+$0x8060] =	vst v16;
	s31 =	smov.u32 s0;
	s0 =	smov.u32 s10  }
0x11e: {  	v12 =	vmovc v29;
	v40 =	vadd.f32 v36, v1;
	v33 =	vmul.f32 v28, v0;
	v39 =	vcvt.f32.s32 v35;
	v24 =	vld.idx.msk [tilespmem:v42+s22+$0x0], $0xffff  }
0x11f: {  	v15 =	vmovc v5;
	v29 =	vmax.f32 v23, $0.0e+00;
	v5 =	vmovc v26;
	v30 =	vmax.f32 v30, $0.0e+00;
	v32 =	vadd.f32 v32, v1;
	v23 =	vld.idx.msk [tilespmem:v17+s22+$0x0], $0xffff  }
0x120: {  	v14 =	vmovc v8;
	v8 =	vmovc v27;
	v31 =	vmax.f32 v31, $0.0e+00;
	v35 =	vmax.f32 v37, $0.0e+00;
	v33 =	vadd.f32 v33, v1;
	v26 =	vld.idx.msk [tilespmem:v18+s22+$0x0], $0xffff  }
0x121: {  	v16 =	vmovc v9;
	v36 =	vmin.f32 v29, $1.700000000e+01;
	v9 =	vmovc v28;
	v27 =	vmax.f32 v40, $0.0e+00;
	v32 =	vmax.f32 v32, $0.0e+00;
	v29 =	vld.idx.msk [tilespmem:v25+s19+$0x0], $0xffff  }
0x122: {  	v25 =	vmin.f32 v30, $1.700000000e+01;
	v30 =	vmin.f32 v31, $1.700000000e+01;
	v31 =	vmax.f32 v33, $0.0e+00;
	v28 =	vld.idx.msk [tilespmem:v34+s19+$0x0], $0xffff  }
.Ltmp2:
0x123: {  	v37 =	vmin.f32 v27, $1.700000000e+01;
	v33 =	vmin.f32 v35, $1.700000000e+01;
	v40 =	vmin.f32 v32, $1.700000000e+01;
	v27 =	vld.idx.msk [tilespmem:v38+s19+$0x0], $0xffff;
	(pc) =	sbr.rel @p0 .LBB2_7-.Ltmp2, $4  }
0x124: {  	v43 =	vtrunc.f32 v36;
	v34 =	vtrunc.f32 v25;
	v31 =	vmin.f32 v31, $1.700000000e+01;
	v32 =	vld.idx.msk [tilespmem:v39+s22+$0x0], $0xffff  }
0x125: {  	v38 =	vtrunc.f32 v30;
	v35 =	vtrunc.f32 v33;
	v30 =	vld.idx.msk [tilespmem:v41+s19+$0x0], $0xffff  }
0x126: {  	v37 =	vtrunc.f32 v37;
	v36 =	vtrunc.f32 v40;
	v33 =	vld.idx.msk [tilespmem:v39+s19+$0x0], $0xffff  }
0x127: {  	s6 =	sadd.s32 $0x8, s6;
	s8 =	sadd.s32 $0x400, s8;
	v25 =	vcvt.f32.s32 v43;
	v39 =	vtrunc.f32 v31;
	v31 =	vld.idx.msk [tilespmem:v42+s19+$0x0], $0xffff  }
0x128: {  	_ =	sdelay $0x1  }
0x129: {  	v34 =	vcvt.f32.s32 v34  }
0x12a: {  	v38 =	vcvt.f32.s32 v38;
	v3 =	vmul.f32 v19, v3  }
0x12b: {  	v35 =	vcvt.f32.s32 v35;
	v17 =	vld.idx.msk [tilespmem:v17+s19+$0x0], $0xffff  }
0x12c: {  	v37 =	vcvt.f32.s32 v37;
	v18 =	vld.idx.msk [tilespmem:v18+s19+$0x0], $0xffff;
	v4 =	vmul.f32 v21, v4;
	v3 =	vadd.f32 v3, v29  }
0x12d: {  	v36 =	vcvt.f32.s32 v36;
	v40 =	vld.idx.msk [tilespmem:v25+s22+$0x0], $0xffff  }
0x12e: {  	v39 =	vcvt.f32.s32 v39;
	[tilespmem:s31+$0x8000] =	vst v3;
	v3 =	vadd.f32 v4, v27;
	v4 =	vld.idx.msk [tilespmem:v25+s19+$0x0], $0xffff  }
0x12f: {  	v41 =	vld.idx.msk [tilespmem:v34+s22+$0x0], $0xffff  }
0x130: {  	v13 =	vmul.f32 v32, v13;
	v51 =	vld.idx.msk [tilespmem:v38+s22+$0x0], $0xffff  }
0x131: {  	v2 =	vmul.f32 v20, v2;
	v19 =	vld.idx.msk [tilespmem:v35+s22+$0x0], $0xffff  }
0x132: {  	v13 =	vadd.f32 v13, v33;
	v20 =	vld.idx.msk [tilespmem:v37+s22+$0x0], $0xffff  }
0x133: {  	v11 =	vmul.f32 v22, v11;
	v2 =	vadd.f32 v2, v28;
	v21 =	vld.idx.msk [tilespmem:v36+s22+$0x0], $0xffff  }
0x134: {  	v15 =	vmul.f32 v24, v15;
	[tilespmem:s0+$0x8070] =	vst v13;
	v13 =	vld.idx.msk [tilespmem:v39+s22+$0x0], $0xffff  }
0x135: {  	v14 =	vmul.f32 v23, v14;
	v11 =	vadd.f32 v11, v30;
	[tilespmem:s31+$0x8010] =	vst v2;
	v2 =	vld.idx.msk [tilespmem:v34+s19+$0x0], $0xffff  }
0x136: {  	v16 =	vmul.f32 v26, v16;
	v15 =	vadd.f32 v15, v31;
	[tilespmem:s31+$0x8020] =	vst v3;
	v3 =	vld.idx.msk [tilespmem:v38+s19+$0x0], $0xffff  }
0x137: {  	[tilespmem:s31+$0x8030] =	vst v11;
	v14 =	vadd.f32 v14, v17;
	v11 =	vld.idx.msk [tilespmem:v35+s19+$0x0], $0xffff;
	v6 =	vmul.f32 v40, v6  }
0x138: {  	v16 =	vadd.f32 v16, v18;
	[tilespmem:s31+$0x8040] =	vst v15;
	v15 =	vld.idx.msk [tilespmem:v37+s19+$0x0], $0xffff;
	v7 =	vmul.f32 v41, v7  }
0x139: {  	[tilespmem:s31+$0x8050] =	vst v14;
	v14 =	vld.idx.msk [tilespmem:v36+s19+$0x0], $0xffff;
	v4 =	vadd.f32 v6, v4;
	v10 =	vmul.f32 v51, v10  }
0x13a: {  	[tilespmem:s31+$0x8060] =	vst v16;
	v6 =	vld.idx.msk [tilespmem:v39+s19+$0x0], $0xffff;
	v12 =	vmul.f32 v19, v12;
	v2 =	vadd.f32 v7, v2  }
0x13b: {  	v5 =	vmul.f32 v20, v5;
	[tilespmem:s0+$0x8000] =	vst v4;
	v3 =	vadd.f32 v10, v3  }
0x13c: {  	v4 =	vmul.f32 v21, v8;
	v7 =	vadd.f32 v12, v11;
	[tilespmem:s0+$0x8010] =	vst v2  }
0x13d: {  	v5 =	vadd.f32 v5, v15;
	v2 =	vmul.f32 v13, v9;
	[tilespmem:s0+$0x8020] =	vst v3  }
0x13e: {  	v3 =	vadd.f32 v4, v14;
	[tilespmem:s0+$0x8030] =	vst v7  }
0x13f: {  	s31 =	sshll.u32 s30, $0x4;
	[tilespmem:s0+$0x8040] =	vst v5;
	v2 =	vadd.f32 v2, v6  }
0x140: {  	s2 =	sshll.u32 s30, $0xC;
	s10 =	sadd.s32 s31, s13;
	[tilespmem:s0+$0x8050] =	vst v3  }
0x141: {  	s8 =	simm.s32 $0x0;
	s6 =	sadd.s32 s2, s9;
	[tilespmem:s0+$0x8060] =	vst v2;
	s0 =	sshll.u32 s10, $0x8  }
0x142: {  	[hbm4b:s6+s8] =	stream.linear.scatter [tilespmem:s23], [sflag:$0x3], $0x4000, $0x38;
	[tilespmem:$0x10080] =	vst v63  }
0x143: {  	s0 =	sadd.s32 s1, s0  }
0x144: {  	[tilespmem:s8], [sflag:$0x1] =	stream.linear.gather [hbm4b:s0+s8], $0x4000, $0x38;
	[tilespmem:$0x10080] =	vst v63  }
0x145: {  	_ =	swait.ge [sflag:s24], $0x4000  }
0x146: {  	[sflag:s24] =	ssyncset.done $0x0  }
0x147: {  	[sflag:s24] =	ssyncadd.s32 $0xFFFFC000  }
0x148: {  	_ =	swait.ge [sflag:s28], $0x4000  }
0x149: {  	s11 =	sand.u32 $0x3C00, s8;
	s2 =	sand.u32 $0x380, s8;
	[sflag:s28] =	ssyncset.done $0x0  }
0x14a: {  	s0 =	sor.u32 s2, s11;
	[sflag:s28] =	ssyncadd.s32 $0xFFFFC000  }
0x14b: {  	v8 =	vld [tilespmem:s0+$0x4070]  }
0x14c: {  	v3 =	vld [tilespmem:s0+$0x4000]  }
0x14d: {  	v2 =	vld [tilespmem:s0+$0x4010]  }
0x14e: {  	v4 =	vld [tilespmem:s0+$0x4020]  }
0x14f: {  	v11 =	vld [tilespmem:s0+$0x4030]  }
0x150: {  	v15 =	vld [tilespmem:s0+$0x4040]  }
0x151: {  	v14 =	vld [tilespmem:s0+$0x4050]  }
0x152: {  	v16 =	vld [tilespmem:s0+$0x4060]  }
0x153: {  	v5 =	vmul.f32 v8, v0;
	v6 =	vmul.f32 v3, v0  }
0x154: {  	v7 =	vmul.f32 v2, v0;
	v9 =	vmul.f32 v4, v0  }
0x155: {  	v10 =	vmul.f32 v11, v0;
	v12 =	vmul.f32 v15, v0  }
0x156: {  	v13 =	vmul.f32 v14, v0;
	v5 =	vadd.f32 v5, v1;
	v6 =	vadd.f32 v6, v1  }
0x157: {  	v17 =	vmul.f32 v16, v0;
	v7 =	vadd.f32 v7, v1;
	v9 =	vadd.f32 v9, v1  }
0x158: {  	s12 =	simm.s32 $0x8;
	s6 =	simm.s32 $0x400;
	v10 =	vadd.f32 v10, v1;
	v12 =	vadd.f32 v12, v1;
	v5 =	vmax.f32 v5, $0.0e+00  }
0x159: {  	s6 =	sand.u32 $0x3C00, s6;
	s2 =	sand.u32 $0x380, s12;
	v13 =	vadd.f32 v13, v1;
	v17 =	vadd.f32 v17, v1;
	v5 =	vmin.f32 v5, $1.700000000e+01  }
0x15a: {  	s2 =	sor.u32 s2, s6;
	v6 =	vmax.f32 v6, $0.0e+00;
	v7 =	vmax.f32 v7, $0.0e+00;
	v5 =	vtrunc.f32 v5  }
0x15b: {  	v9 =	vmax.f32 v9, $0.0e+00;
	v18 =	vmax.f32 v13, $0.0e+00;
	v13 =	vld [tilespmem:s2+$0x4070];
	v5 =	vcvt.f32.s32 v5  }
0x15c: {  	v10 =	vmax.f32 v10, $0.0e+00;
	v12 =	vmax.f32 v12, $0.0e+00;
	v7 =	vmin.f32 v7, $1.700000000e+01  }
0x15d: {  	v9 =	vmin.f32 v9, $1.700000000e+01;
	v21 =	vtrunc.f32 v7;
	v7 =	vmin.f32 v12, $1.700000000e+01  }
0x15e: {  	v9 =	vtrunc.f32 v9;
	v12 =	vmin.f32 v18, $1.700000000e+01;
	v18 =	vtrunc.f32 v7;
	v7 =	vld [tilespmem:s2+$0x4010]  }
0x15f: {  	v17 =	vmax.f32 v17, $0.0e+00;
	v22 =	vtrunc.f32 v12;
	v30 =	vcvt.f32.s32 v9;
	v12 =	vld [tilespmem:s2+$0x4030]  }
0x160: {  	v17 =	vmin.f32 v17, $1.700000000e+01;
	v9 =	vld [tilespmem:s2+$0x4060];
	v52 =	vcvt.f32.s32 v18;
	v23 =	vmul.f32 v13, v0  }
0x161: {  	v6 =	vmin.f32 v6, $1.700000000e+01;
	v27 =	vcvt.f32.s32 v21;
	v21 =	vtrunc.f32 v17;
	v19 =	vld.idx.msk [tilespmem:v5+s22+$0x0], $0xffff  }
0x162: {  	v17 =	vcvt.f32.s32 v22;
	v18 =	vcvt.f32.s32 v21;
	v23 =	vadd.f32 v23, v1;
	v20 =	vld.idx.msk [tilespmem:v5+s19+$0x0], $0xffff  }
0x163: {  	v21 =	vmul.f32 v7, v0;
	v5 =	vmin.f32 v10, $1.700000000e+01;
	v10 =	vtrunc.f32 v6;
	v6 =	vld [tilespmem:s2+$0x4000]  }
0x164: {  	v24 =	vmul.f32 v12, v0;
	v25 =	vcvt.f32.s32 v10;
	v10 =	vld [tilespmem:s2+$0x4020]  }
0x165: {  	v23 =	vmax.f32 v23, $0.0e+00;
	v28 =	vadd.f32 v21, v1;
	v21 =	vld.idx.msk [tilespmem:v30+s22+$0x0], $0xffff  }
0x166: {  	v5 =	vtrunc.f32 v5;
	v23 =	vmin.f32 v23, $1.700000000e+01;
	v55 =	vadd.f32 v24, v1;
	v24 =	vld.idx.msk [tilespmem:v52+s22+$0x0], $0xffff  }
0x167: {  	v31 =	vcvt.f32.s32 v5;
	v5 =	vld [tilespmem:s2+$0x4040];
	v23 =	vtrunc.f32 v23  }
0x168: {  	v57 =	vcvt.f32.s32 v23;
	v23 =	vld.idx.msk [tilespmem:v17+s22+$0x0], $0xffff  }
0x169: {  	v58 =	vmul.f32 v9, v0;
	v28 =	vmax.f32 v28, $0.0e+00;
	v19 =	vmul.f32 v19, v8;
	v8 =	vld [tilespmem:s2+$0x4050]  }
0x16a: {  	v62 =	vmin.f32 v28, $1.700000000e+01;
	v28 =	vld.idx.msk [tilespmem:v27+s19+$0x0], $0xffff;
	v22 =	vmul.f32 v6, v0  }
0x16b: {  	v35 =	vadd.f32 v58, v1;
	v33 =	vmax.f32 v55, $0.0e+00;
	v53 =	vadd.f32 v19, v20;
	v19 =	vld.idx.msk [tilespmem:v25+s22+$0x0], $0xffff  }
0x16c: {  	v33 =	vmin.f32 v33, $1.700000000e+01;
	v26 =	vadd.f32 v22, v1;
	v22 =	vmul.f32 v10, v0;
	v20 =	vld.idx.msk [tilespmem:v27+s22+$0x0], $0xffff  }
0x16d: {  	v42 =	vmax.f32 v35, $0.0e+00;
	v35 =	vtrunc.f32 v33;
	v54 =	vmul.f32 v5, v0;
	v27 =	vld.idx.msk [tilespmem:v30+s19+$0x0], $0xffff  }
0x16e: {  	v30 =	vld.idx.msk [tilespmem:v31+s19+$0x0], $0xffff;
	v29 =	vadd.f32 v22, v1;
	v59 =	vmax.f32 v26, $0.0e+00;
	v56 =	vmul.f32 v8, v0  }
0x16f: {  	v22 =	vld.idx.msk [tilespmem:v31+s22+$0x0], $0xffff;
	v32 =	vadd.f32 v54, v1;
	v31 =	vmin.f32 v42, $1.700000000e+01;
	v36 =	vmin.f32 v59, $1.700000000e+01  }
0x170: {  	v26 =	vld.idx.msk [tilespmem:v18+s22+$0x0], $0xffff;
	v39 =	vtrunc.f32 v31;
	v60 =	vmax.f32 v29, $0.0e+00;
	v34 =	vadd.f32 v56, v1  }
0x171: {  	v29 =	vld.idx.msk [tilespmem:v25+s19+$0x0], $0xffff;
	v25 =	vmax.f32 v32, $0.0e+00;
	v43 =	vtrunc.f32 v36;
	v37 =	vmin.f32 v60, $1.700000000e+01  }
0x172: {  	v32 =	vld.idx.msk [tilespmem:v57+s22+$0x0], $0xffff;
	v25 =	vmin.f32 v25, $1.700000000e+01;
	v38 =	vtrunc.f32 v37;
	v61 =	vmax.f32 v34, $0.0e+00  }
0x173: {  	v33 =	vld.idx.msk [tilespmem:v57+s19+$0x0], $0xffff;
	v37 =	vtrunc.f32 v25;
	v25 =	vcvt.f32.s32 v43;
	v63 =	vmin.f32 v61, $1.700000000e+01  }
0x174: {  	s10 =	simm.s32 $0x800;
	s8 =	simm.s32 $0x10;
	s6 =	simm.s32 $0x80;
	[tilespmem:s0+$0xC070] =	vst v53;
	v31 =	vld.idx.msk [tilespmem:v52+s19+$0x0], $0xffff;
	v34 =	vtrunc.f32 v62;
	v36 =	vtrunc.f32 v63  }
.LBB2_9:
0x175: {  	s11 =	sand.u32 $0x3C00, s10;
	s12 =	sand.u32 $0x380, s8;
	s6 =	sadd.s32 $0x80, s6;
	v34 =	vcvt.f32.s32 v34;
	v38 =	vcvt.f32.s32 v38;
	v40 =	vld.idx.msk [tilespmem:v17+s19+$0x0], $0xffff  }
0x176: {  	v41 =	vcvt.f32.s32 v35;
	v42 =	vcvt.f32.s32 v37;
	s11 =	sor.u32 s12, s11;
	p0 =	slt.u32 s6, $0x3F80;
	v35 =	vld.idx.msk [tilespmem:v18+s19+$0x0], $0xffff  }
0x177: {  	v17 =	vcvt.f32.s32 v36;
	v32 =	vmul.f32 v32, v13;
	v13 =	vld [tilespmem:s11+$0x4070]  }
0x178: {  	v19 =	vmul.f32 v19, v3;
	v3 =	vmov v6;
	v18 =	vcvt.f32.s32 v39;
	v6 =	vld [tilespmem:s11+$0x4000]  }
0x179: {  	v20 =	vmul.f32 v20, v2;
	v21 =	vmul.f32 v21, v4;
	v2 =	vmovc v7;
	v32 =	vadd.f32 v32, v33;
	v7 =	vld [tilespmem:s11+$0x4010]  }
0x17a: {  	v11 =	vmul.f32 v22, v11;
	v15 =	vmul.f32 v24, v15;
	v4 =	vmovc v10;
	v19 =	vadd.f32 v19, v29;
	v10 =	vld [tilespmem:s11+$0x4020]  }
0x17b: {  	v14 =	vmul.f32 v23, v14;
	v16 =	vmul.f32 v26, v16;
	v20 =	vadd.f32 v20, v28;
	v29 =	vld [tilespmem:s11+$0x4030];
	[tilespmem:s2+$0xC070] =	vst v32  }
0x17c: {  	v24 =	vadd.f32 v11, v30;
	v26 =	vld [tilespmem:s11+$0x4040];
	v22 =	vmul.f32 v13, v0;
	[tilespmem:s0+$0xC000] =	vst v19;
	v19 =	vadd.f32 v21, v27  }
0x17d: {  	v15 =	vadd.f32 v15, v31;
	v14 =	vadd.f32 v14, v40;
	v21 =	vmul.f32 v6, v0;
	v27 =	vld [tilespmem:s11+$0x4050];
	[tilespmem:s0+$0xC010] =	vst v20  }
0x17e: {  	v16 =	vadd.f32 v16, v35;
	v20 =	vmul.f32 v7, v0;
	v28 =	vld [tilespmem:s11+$0x4060];
	v22 =	vadd.f32 v22, v1;
	[tilespmem:s0+$0xC020] =	vst v19  }
0x17f: {  	v11 =	vmov v12;
	v23 =	vadd.f32 v21, v1;
	v21 =	vmul.f32 v10, v0;
	v19 =	vld.idx.msk [tilespmem:v25+s22+$0x0], $0xffff;
	[tilespmem:s0+$0xC030] =	vst v24  }
0x180: {  	v30 =	vadd.f32 v20, v1;
	v43 =	vmul.f32 v29, v0;
	v22 =	vmax.f32 v22, $0.0e+00;
	v20 =	vld.idx.msk [tilespmem:v34+s22+$0x0], $0xffff;
	[tilespmem:s0+$0xC040] =	vst v15  }
0x181: {  	v31 =	vadd.f32 v21, v1;
	v36 =	vmul.f32 v26, v0;
	v22 =	vmin.f32 v22, $1.700000000e+01;
	v21 =	vld.idx.msk [tilespmem:v38+s22+$0x0], $0xffff;
	[tilespmem:s0+$0xC050] =	vst v14  }
0x182: {  	v37 =	vadd.f32 v43, v1;
	v32 =	vmul.f32 v27, v0;
	v35 =	vtrunc.f32 v22;
	v22 =	vld.idx.msk [tilespmem:v41+s22+$0x0], $0xffff;
	[tilespmem:s0+$0xC060] =	vst v16;
	s0 =	smov.u32 s2;
	s2 =	smov.u32 s11  }
0x183: {  	v12 =	vmovc v29;
	v40 =	vadd.f32 v36, v1;
	v33 =	vmul.f32 v28, v0;
	v39 =	vcvt.f32.s32 v35;
	v24 =	vld.idx.msk [tilespmem:v42+s22+$0x0], $0xffff  }
0x184: {  	v15 =	vmovc v5;
	v29 =	vmax.f32 v23, $0.0e+00;
	v5 =	vmovc v26;
	v30 =	vmax.f32 v30, $0.0e+00;
	v32 =	vadd.f32 v32, v1;
	v23 =	vld.idx.msk [tilespmem:v17+s22+$0x0], $0xffff  }
0x185: {  	v14 =	vmovc v8;
	v8 =	vmovc v27;
	v31 =	vmax.f32 v31, $0.0e+00;
	v35 =	vmax.f32 v37, $0.0e+00;
	v33 =	vadd.f32 v33, v1;
	v26 =	vld.idx.msk [tilespmem:v18+s22+$0x0], $0xffff  }
0x186: {  	v16 =	vmovc v9;
	v36 =	vmin.f32 v29, $1.700000000e+01;
	v9 =	vmovc v28;
	v27 =	vmax.f32 v40, $0.0e+00;
	v32 =	vmax.f32 v32, $0.0e+00;
	v29 =	vld.idx.msk [tilespmem:v25+s19+$0x0], $0xffff  }
0x187: {  	v25 =	vmin.f32 v30, $1.700000000e+01;
	v30 =	vmin.f32 v31, $1.700000000e+01;
	v31 =	vmax.f32 v33, $0.0e+00;
	v28 =	vld.idx.msk [tilespmem:v34+s19+$0x0], $0xffff  }
.Ltmp3:
0x188: {  	v37 =	vmin.f32 v27, $1.700000000e+01;
	v33 =	vmin.f32 v35, $1.700000000e+01;
	v40 =	vmin.f32 v32, $1.700000000e+01;
	v27 =	vld.idx.msk [tilespmem:v38+s19+$0x0], $0xffff;
	(pc) =	sbr.rel @p0 .LBB2_9-.Ltmp3, $4  }
0x189: {  	v43 =	vtrunc.f32 v36;
	v34 =	vtrunc.f32 v25;
	v31 =	vmin.f32 v31, $1.700000000e+01;
	v32 =	vld.idx.msk [tilespmem:v39+s22+$0x0], $0xffff  }
0x18a: {  	v38 =	vtrunc.f32 v30;
	v35 =	vtrunc.f32 v33;
	v30 =	vld.idx.msk [tilespmem:v41+s19+$0x0], $0xffff  }
0x18b: {  	v37 =	vtrunc.f32 v37;
	v36 =	vtrunc.f32 v40;
	v33 =	vld.idx.msk [tilespmem:v39+s19+$0x0], $0xffff  }
0x18c: {  	s8 =	sadd.s32 $0x8, s8;
	s10 =	sadd.s32 $0x400, s10;
	v25 =	vcvt.f32.s32 v43;
	v39 =	vtrunc.f32 v31;
	v31 =	vld.idx.msk [tilespmem:v42+s19+$0x0], $0xffff  }
0x18d: {  	_ =	sdelay $0x1  }
0x18e: {  	v34 =	vcvt.f32.s32 v34  }
0x18f: {  	v38 =	vcvt.f32.s32 v38  }
0x190: {  	v35 =	vcvt.f32.s32 v35;
	v17 =	vld.idx.msk [tilespmem:v17+s19+$0x0], $0xffff  }
0x191: {  	v37 =	vcvt.f32.s32 v37;
	v18 =	vld.idx.msk [tilespmem:v18+s19+$0x0], $0xffff  }
0x192: {  	v36 =	vcvt.f32.s32 v36;
	v40 =	vld.idx.msk [tilespmem:v25+s22+$0x0], $0xffff  }
0x193: {  	v39 =	vcvt.f32.s32 v39;
	v57 =	vld.idx.msk [tilespmem:v25+s19+$0x0], $0xffff  }
0x194: {  	v3 =	vmul.f32 v19, v3;
	v41 =	vld.idx.msk [tilespmem:v34+s22+$0x0], $0xffff  }
0x195: {  	v2 =	vmul.f32 v20, v2;
	v52 =	vld.idx.msk [tilespmem:v38+s22+$0x0], $0xffff  }
0x196: {  	v11 =	vmul.f32 v22, v11;
	v3 =	vadd.f32 v3, v29;
	v53 =	vld.idx.msk [tilespmem:v35+s22+$0x0], $0xffff  }
0x197: {  	v4 =	vmul.f32 v21, v4;
	v2 =	vadd.f32 v2, v28;
	v54 =	vld.idx.msk [tilespmem:v37+s22+$0x0], $0xffff  }
0x198: {  	v13 =	vmul.f32 v32, v13;
	v11 =	vadd.f32 v11, v30;
	[tilespmem:s0+$0xC000] =	vst v3;
	v55 =	vld.idx.msk [tilespmem:v36+s22+$0x0], $0xffff  }
0x199: {  	v15 =	vmul.f32 v24, v15;
	v3 =	vadd.f32 v4, v27;
	[tilespmem:s0+$0xC010] =	vst v2;
	v56 =	vld.idx.msk [tilespmem:v39+s22+$0x0], $0xffff  }
0x19a: {  	v14 =	vmul.f32 v23, v14;
	v13 =	vadd.f32 v13, v33;
	[tilespmem:s0+$0xC030] =	vst v11;
	v2 =	vld.idx.msk [tilespmem:v34+s19+$0x0], $0xffff  }
0x19b: {  	v16 =	vmul.f32 v26, v16;
	v15 =	vadd.f32 v15, v31;
	[tilespmem:s0+$0xC020] =	vst v3;
	v3 =	vld.idx.msk [tilespmem:v38+s19+$0x0], $0xffff  }
0x19c: {  	[tilespmem:s2+$0xC070] =	vst v13;
	v14 =	vadd.f32 v14, v17;
	v58 =	vld.idx.msk [tilespmem:v35+s19+$0x0], $0xffff;
	v6 =	vmul.f32 v40, v6  }
0x19d: {  	v16 =	vadd.f32 v16, v18;
	[tilespmem:s0+$0xC040] =	vst v15;
	v59 =	vld.idx.msk [tilespmem:v37+s19+$0x0], $0xffff;
	v7 =	vmul.f32 v41, v7  }
0x19e: {  	v60 =	vld.idx.msk [tilespmem:v36+s19+$0x0], $0xffff;
	[tilespmem:s0+$0xC050] =	vst v14;
	v4 =	vadd.f32 v6, v57;
	v10 =	vmul.f32 v52, v10  }
0x19f: {  	v61 =	vld.idx.msk [tilespmem:v39+s19+$0x0], $0xffff;
	[tilespmem:s0+$0xC060] =	vst v16;
	v12 =	vmul.f32 v53, v12;
	v2 =	vadd.f32 v7, v2  }
0x1a0: {  	[tilespmem:s2+$0xC000] =	vst v4;
	v5 =	vmul.f32 v54, v5;
	v3 =	vadd.f32 v10, v3  }
0x1a1: {  	v62 =	vmul.f32 v55, v8;
	v63 =	vadd.f32 v12, v58;
	[tilespmem:s2+$0xC010] =	vst v2  }
0x1a2: {  	v5 =	vadd.f32 v5, v59;
	v2 =	vmul.f32 v56, v9;
	[tilespmem:s2+$0xC020] =	vst v3  }
0x1a3: {  	s12 =	sadd.s32 s31, s5;
	v3 =	vadd.f32 v62, v60;
	[tilespmem:s2+$0xC030] =	vst v63  }
0x1a4: {  	s30 =	sadd.s32 $0x1, s30;
	s0 =	sshll.u32 s12, $0x8;
	[tilespmem:s2+$0xC040] =	vst v5;
	v2 =	vadd.f32 v2, v61  }
0x1a5: {  	p0 =	sne.s32 s30, $0xF;
	s0 =	sadd.s32 s3, s0;
	[tilespmem:s2+$0xC050] =	vst v3  }
.Ltmp4:
0x1a6: {  	s31 =	sadd.s32 s31, s14;
	s0 =	sadd.s32 $0x800, s0;
	[tilespmem:s2+$0xC060] =	vst v2;
	(pc) =	sbr.rel @p0 .LBB2_6-.Ltmp4, $4  }
0x1a7: {  	[hbm4b:s0+s4] =	stream.linear.scatter [tilespmem:s25], [sflag:$0x4], $0x4000, $0x38;
	[tilespmem:$0x10080] =	vst v63  }
0x1a8: {  	s0 =	sshll.u32 s31, $0x8  }
0x1a9: {  	s0 =	sadd.s32 s1, s0  }
0x1aa: {  	[tilespmem:s18], [sflag:$0x2] =	stream.linear.gather [hbm4b:s0+s4], $0x4000, $0x38;
	[tilespmem:$0x10080] =	vst v63  }
0x1ab: {  	_ =	swait.ge [sflag:s21], $0x4000  }
0x1ac: {  	[sflag:s21] =	ssyncset.done $0x0  }
0x1ad: {  	[sflag:s21] =	ssyncadd.s32 $0xFFFFC000  }
0x1ae: {  	s0 =	simm.s32 $0x0;
	_ =	swait.ge [sflag:s26], $0x4000  }
0x1af: {  	s2 =	sand.u32 $0x3C00, s0;
	s0 =	sand.u32 $0x380, s0;
	[sflag:s26] =	ssyncset.done $0x0  }
0x1b0: {  	s0 =	sor.u32 s0, s2;
	[sflag:s26] =	ssyncadd.s32 $0xFFFFC000  }
0x1b1: {  	v8 =	vld [tilespmem:s0+$0x70]  }
0x1b2: {  	v3 =	vld [tilespmem:s0+$0x0]  }
0x1b3: {  	v2 =	vld [tilespmem:s0+$0x10]  }
0x1b4: {  	v4 =	vld [tilespmem:s0+$0x20]  }
0x1b5: {  	v11 =	vld [tilespmem:s0+$0x30]  }
0x1b6: {  	v15 =	vld [tilespmem:s0+$0x40]  }
0x1b7: {  	v14 =	vld [tilespmem:s0+$0x50]  }
0x1b8: {  	v16 =	vld [tilespmem:s0+$0x60]  }
0x1b9: {  	v5 =	vmul.f32 v8, v0;
	v6 =	vmul.f32 v3, v0  }
0x1ba: {  	v7 =	vmul.f32 v2, v0;
	v9 =	vmul.f32 v4, v0  }
0x1bb: {  	v10 =	vmul.f32 v11, v0;
	v12 =	vmul.f32 v15, v0  }
0x1bc: {  	v13 =	vmul.f32 v14, v0;
	v5 =	vadd.f32 v5, v1;
	v6 =	vadd.f32 v6, v1  }
0x1bd: {  	v17 =	vmul.f32 v16, v0;
	v7 =	vadd.f32 v7, v1;
	v9 =	vadd.f32 v9, v1  }
0x1be: {  	s31 =	simm.s32 $0x8;
	s6 =	simm.s32 $0x400;
	v10 =	vadd.f32 v10, v1;
	v12 =	vadd.f32 v12, v1;
	v5 =	vmax.f32 v5, $0.0e+00  }
0x1bf: {  	s6 =	sand.u32 $0x3C00, s6;
	s2 =	sand.u32 $0x380, s31;
	v13 =	vadd.f32 v13, v1;
	v17 =	vadd.f32 v17, v1;
	v5 =	vmin.f32 v5, $1.700000000e+01  }
0x1c0: {  	s2 =	sor.u32 s2, s6;
	v6 =	vmax.f32 v6, $0.0e+00;
	v7 =	vmax.f32 v7, $0.0e+00;
	v5 =	vtrunc.f32 v5  }
0x1c1: {  	v9 =	vmax.f32 v9, $0.0e+00;
	v18 =	vmax.f32 v13, $0.0e+00;
	v13 =	vld [tilespmem:s2+$0x70];
	v5 =	vcvt.f32.s32 v5  }
0x1c2: {  	v10 =	vmax.f32 v10, $0.0e+00;
	v12 =	vmax.f32 v12, $0.0e+00;
	v7 =	vmin.f32 v7, $1.700000000e+01  }
0x1c3: {  	v9 =	vmin.f32 v9, $1.700000000e+01;
	v21 =	vtrunc.f32 v7;
	v7 =	vmin.f32 v12, $1.700000000e+01  }
0x1c4: {  	v9 =	vtrunc.f32 v9;
	v12 =	vmin.f32 v18, $1.700000000e+01;
	v18 =	vtrunc.f32 v7;
	v7 =	vld [tilespmem:s2+$0x10]  }
0x1c5: {  	v17 =	vmax.f32 v17, $0.0e+00;
	v22 =	vtrunc.f32 v12;
	v30 =	vcvt.f32.s32 v9;
	v12 =	vld [tilespmem:s2+$0x30]  }
0x1c6: {  	v17 =	vmin.f32 v17, $1.700000000e+01;
	v9 =	vld [tilespmem:s2+$0x60];
	v40 =	vcvt.f32.s32 v18;
	v23 =	vmul.f32 v13, v0  }
0x1c7: {  	v6 =	vmin.f32 v6, $1.700000000e+01;
	v27 =	vcvt.f32.s32 v21;
	v21 =	vtrunc.f32 v17;
	v19 =	vld.idx.msk [tilespmem:v5+s22+$0x0], $0xffff  }
0x1c8: {  	v17 =	vcvt.f32.s32 v22;
	v18 =	vcvt.f32.s32 v21;
	v23 =	vadd.f32 v23, v1;
	v20 =	vld.idx.msk [tilespmem:v5+s19+$0x0], $0xffff  }
0x1c9: {  	v21 =	vmul.f32 v7, v0;
	v5 =	vmin.f32 v10, $1.700000000e+01;
	v10 =	vtrunc.f32 v6;
	v6 =	vld [tilespmem:s2+$0x0]  }
0x1ca: {  	v24 =	vmul.f32 v12, v0;
	v25 =	vcvt.f32.s32 v10;
	v10 =	vld [tilespmem:s2+$0x20]  }
0x1cb: {  	v23 =	vmax.f32 v23, $0.0e+00;
	v28 =	vadd.f32 v21, v1;
	v21 =	vld.idx.msk [tilespmem:v30+s22+$0x0], $0xffff  }
0x1cc: {  	v5 =	vtrunc.f32 v5;
	v23 =	vmin.f32 v23, $1.700000000e+01;
	v33 =	vadd.f32 v24, v1;
	v24 =	vld.idx.msk [tilespmem:v40+s22+$0x0], $0xffff  }
0x1cd: {  	v31 =	vcvt.f32.s32 v5;
	v5 =	vld [tilespmem:s2+$0x40];
	v23 =	vtrunc.f32 v23  }
0x1ce: {  	v41 =	vcvt.f32.s32 v23;
	v23 =	vld.idx.msk [tilespmem:v17+s22+$0x0], $0xffff  }
0x1cf: {  	v35 =	vmul.f32 v9, v0;
	v28 =	vmax.f32 v28, $0.0e+00;
	v19 =	vmul.f32 v19, v8;
	v8 =	vld [tilespmem:s2+$0x50]  }
0x1d0: {  	v62 =	vmin.f32 v28, $1.700000000e+01;
	v28 =	vld.idx.msk [tilespmem:v27+s19+$0x0], $0xffff;
	v22 =	vmul.f32 v6, v0  }
0x1d1: {  	v35 =	vadd.f32 v35, v1;
	v33 =	vmax.f32 v33, $0.0e+00;
	v39 =	vadd.f32 v19, v20;
	v19 =	vld.idx.msk [tilespmem:v25+s22+$0x0], $0xffff  }
0x1d2: {  	v33 =	vmin.f32 v33, $1.700000000e+01;
	v26 =	vadd.f32 v22, v1;
	v22 =	vmul.f32 v10, v0;
	v20 =	vld.idx.msk [tilespmem:v27+s22+$0x0], $0xffff  }
0x1d3: {  	v42 =	vmax.f32 v35, $0.0e+00;
	v35 =	vtrunc.f32 v33;
	v32 =	vmul.f32 v5, v0;
	v27 =	vld.idx.msk [tilespmem:v30+s19+$0x0], $0xffff  }
0x1d4: {  	v30 =	vld.idx.msk [tilespmem:v31+s19+$0x0], $0xffff;
	v29 =	vadd.f32 v22, v1;
	v36 =	vmax.f32 v26, $0.0e+00;
	v34 =	vmul.f32 v8, v0  }
0x1d5: {  	v22 =	vld.idx.msk [tilespmem:v31+s22+$0x0], $0xffff;
	v32 =	vadd.f32 v32, v1;
	v31 =	vmin.f32 v42, $1.700000000e+01;
	v36 =	vmin.f32 v36, $1.700000000e+01  }
0x1d6: {  	v26 =	vld.idx.msk [tilespmem:v18+s22+$0x0], $0xffff;
	[tilespmem:s0+$0x8070] =	vst v39;
	v39 =	vtrunc.f32 v31;
	v37 =	vmax.f32 v29, $0.0e+00;
	v34 =	vadd.f32 v34, v1  }
0x1d7: {  	v29 =	vld.idx.msk [tilespmem:v25+s19+$0x0], $0xffff;
	v25 =	vmax.f32 v32, $0.0e+00;
	v43 =	vtrunc.f32 v36;
	v37 =	vmin.f32 v37, $1.700000000e+01  }
0x1d8: {  	v32 =	vld.idx.msk [tilespmem:v41+s22+$0x0], $0xffff;
	v25 =	vmin.f32 v25, $1.700000000e+01;
	v38 =	vmax.f32 v34, $0.0e+00;
	v34 =	vtrunc.f32 v62  }
0x1d9: {  	v33 =	vld.idx.msk [tilespmem:v41+s19+$0x0], $0xffff;
	v63 =	vmin.f32 v38, $1.700000000e+01;
	v38 =	vtrunc.f32 v37;
	v37 =	vtrunc.f32 v25  }
0x1da: {  	s8 =	simm.s32 $0x10;
	s10 =	simm.s32 $0x800;
	s6 =	simm.s32 $0x80;
	v31 =	vld.idx.msk [tilespmem:v40+s19+$0x0], $0xffff;
	v25 =	vcvt.f32.s32 v43;
	v36 =	vtrunc.f32 v63  }
.LBB2_12:
0x1db: {  	s11 =	sand.u32 $0x3C00, s10;
	s12 =	sand.u32 $0x380, s8;
	s6 =	sadd.s32 $0x80, s6;
	v34 =	vcvt.f32.s32 v34;
	v38 =	vcvt.f32.s32 v38;
	v40 =	vld.idx.msk [tilespmem:v17+s19+$0x0], $0xffff  }
0x1dc: {  	v41 =	vcvt.f32.s32 v35;
	v42 =	vcvt.f32.s32 v37;
	s11 =	sor.u32 s12, s11;
	p0 =	slt.u32 s6, $0x3F80;
	v35 =	vld.idx.msk [tilespmem:v18+s19+$0x0], $0xffff  }
0x1dd: {  	v17 =	vcvt.f32.s32 v36;
	v32 =	vmul.f32 v32, v13;
	v13 =	vld [tilespmem:s11+$0x70]  }
0x1de: {  	v19 =	vmul.f32 v19, v3;
	v3 =	vmov v6;
	v18 =	vcvt.f32.s32 v39;
	v6 =	vld [tilespmem:s11+$0x0]  }
0x1df: {  	v20 =	vmul.f32 v20, v2;
	v21 =	vmul.f32 v21, v4;
	v2 =	vmovc v7;
	v32 =	vadd.f32 v32, v33;
	v7 =	vld [tilespmem:s11+$0x10]  }
0x1e0: {  	v11 =	vmul.f32 v22, v11;
	v15 =	vmul.f32 v24, v15;
	v4 =	vmovc v10;
	v19 =	vadd.f32 v19, v29;
	v10 =	vld [tilespmem:s11+$0x20]  }
0x1e1: {  	v14 =	vmul.f32 v23, v14;
	v16 =	vmul.f32 v26, v16;
	v20 =	vadd.f32 v20, v28;
	v29 =	vld [tilespmem:s11+$0x30];
	[tilespmem:s2+$0x8070] =	vst v32  }
0x1e2: {  	v24 =	vadd.f32 v11, v30;
	v26 =	vld [tilespmem:s11+$0x40];
	v22 =	vmul.f32 v13, v0;
	[tilespmem:s0+$0x8000] =	vst v19;
	v19 =	vadd.f32 v21, v27  }
0x1e3: {  	v15 =	vadd.f32 v15, v31;
	v14 =	vadd.f32 v14, v40;
	v21 =	vmul.f32 v6, v0;
	v27 =	vld [tilespmem:s11+$0x50];
	[tilespmem:s0+$0x8010] =	vst v20  }
0x1e4: {  	v16 =	vadd.f32 v16, v35;
	v20 =	vmul.f32 v7, v0;
	v28 =	vld [tilespmem:s11+$0x60];
	v22 =	vadd.f32 v22, v1;
	[tilespmem:s0+$0x8020] =	vst v19  }
0x1e5: {  	v11 =	vmov v12;
	v23 =	vadd.f32 v21, v1;
	v21 =	vmul.f32 v10, v0;
	v19 =	vld.idx.msk [tilespmem:v25+s22+$0x0], $0xffff;
	[tilespmem:s0+$0x8030] =	vst v24  }
0x1e6: {  	v30 =	vadd.f32 v20, v1;
	v43 =	vmul.f32 v29, v0;
	v22 =	vmax.f32 v22, $0.0e+00;
	v20 =	vld.idx.msk [tilespmem:v34+s22+$0x0], $0xffff;
	[tilespmem:s0+$0x8040] =	vst v15  }
0x1e7: {  	v31 =	vadd.f32 v21, v1;
	v36 =	vmul.f32 v26, v0;
	v22 =	vmin.f32 v22, $1.700000000e+01;
	v21 =	vld.idx.msk [tilespmem:v38+s22+$0x0], $0xffff;
	[tilespmem:s0+$0x8050] =	vst v14  }
0x1e8: {  	v37 =	vadd.f32 v43, v1;
	v32 =	vmul.f32 v27, v0;
	v35 =	vtrunc.f32 v22;
	v22 =	vld.idx.msk [tilespmem:v41+s22+$0x0], $0xffff;
	[tilespmem:s0+$0x8060] =	vst v16;
	s0 =	smov.u32 s2;
	s2 =	smov.u32 s11  }
0x1e9: {  	v12 =	vmovc v29;
	v40 =	vadd.f32 v36, v1;
	v33 =	vmul.f32 v28, v0;
	v39 =	vcvt.f32.s32 v35;
	v24 =	vld.idx.msk [tilespmem:v42+s22+$0x0], $0xffff  }
0x1ea: {  	v15 =	vmovc v5;
	v29 =	vmax.f32 v23, $0.0e+00;
	v5 =	vmovc v26;
	v30 =	vmax.f32 v30, $0.0e+00;
	v32 =	vadd.f32 v32, v1;
	v23 =	vld.idx.msk [tilespmem:v17+s22+$0x0], $0xffff  }
0x1eb: {  	v14 =	vmovc v8;
	v8 =	vmovc v27;
	v31 =	vmax.f32 v31, $0.0e+00;
	v35 =	vmax.f32 v37, $0.0e+00;
	v33 =	vadd.f32 v33, v1;
	v26 =	vld.idx.msk [tilespmem:v18+s22+$0x0], $0xffff  }
0x1ec: {  	v16 =	vmovc v9;
	v36 =	vmin.f32 v29, $1.700000000e+01;
	v9 =	vmovc v28;
	v27 =	vmax.f32 v40, $0.0e+00;
	v32 =	vmax.f32 v32, $0.0e+00;
	v29 =	vld.idx.msk [tilespmem:v25+s19+$0x0], $0xffff  }
0x1ed: {  	v25 =	vmin.f32 v30, $1.700000000e+01;
	v30 =	vmin.f32 v31, $1.700000000e+01;
	v31 =	vmax.f32 v33, $0.0e+00;
	v28 =	vld.idx.msk [tilespmem:v34+s19+$0x0], $0xffff  }
.Ltmp5:
0x1ee: {  	v37 =	vmin.f32 v27, $1.700000000e+01;
	v33 =	vmin.f32 v35, $1.700000000e+01;
	v40 =	vmin.f32 v32, $1.700000000e+01;
	v27 =	vld.idx.msk [tilespmem:v38+s19+$0x0], $0xffff;
	(pc) =	sbr.rel @p0 .LBB2_12-.Ltmp5, $4  }
0x1ef: {  	v43 =	vtrunc.f32 v36;
	v34 =	vtrunc.f32 v25;
	v31 =	vmin.f32 v31, $1.700000000e+01;
	v32 =	vld.idx.msk [tilespmem:v39+s22+$0x0], $0xffff  }
0x1f0: {  	v38 =	vtrunc.f32 v30;
	v35 =	vtrunc.f32 v33;
	v30 =	vld.idx.msk [tilespmem:v41+s19+$0x0], $0xffff  }
0x1f1: {  	v37 =	vtrunc.f32 v37;
	v36 =	vtrunc.f32 v40;
	v33 =	vld.idx.msk [tilespmem:v39+s19+$0x0], $0xffff  }
0x1f2: {  	s8 =	sadd.s32 $0x8, s8;
	s10 =	sadd.s32 $0x400, s10;
	v25 =	vcvt.f32.s32 v43;
	v39 =	vtrunc.f32 v31;
	v31 =	vld.idx.msk [tilespmem:v42+s19+$0x0], $0xffff  }
0x1f3: {  	_ =	sdelay $0x1  }
0x1f4: {  	v34 =	vcvt.f32.s32 v34  }
0x1f5: {  	v38 =	vcvt.f32.s32 v38;
	v3 =	vmul.f32 v19, v3  }
0x1f6: {  	v35 =	vcvt.f32.s32 v35;
	v17 =	vld.idx.msk [tilespmem:v17+s19+$0x0], $0xffff  }
0x1f7: {  	v37 =	vcvt.f32.s32 v37;
	v18 =	vld.idx.msk [tilespmem:v18+s19+$0x0], $0xffff;
	v4 =	vmul.f32 v21, v4;
	v3 =	vadd.f32 v3, v29  }
0x1f8: {  	v36 =	vcvt.f32.s32 v36;
	v40 =	vld.idx.msk [tilespmem:v25+s22+$0x0], $0xffff  }
0x1f9: {  	v39 =	vcvt.f32.s32 v39;
	[tilespmem:s0+$0x8000] =	vst v3;
	v3 =	vadd.f32 v4, v27;
	v4 =	vld.idx.msk [tilespmem:v25+s19+$0x0], $0xffff  }
0x1fa: {  	v41 =	vld.idx.msk [tilespmem:v34+s22+$0x0], $0xffff  }
0x1fb: {  	v13 =	vmul.f32 v32, v13;
	v51 =	vld.idx.msk [tilespmem:v38+s22+$0x0], $0xffff  }
0x1fc: {  	v2 =	vmul.f32 v20, v2;
	v19 =	vld.idx.msk [tilespmem:v35+s22+$0x0], $0xffff  }
0x1fd: {  	v13 =	vadd.f32 v13, v33;
	v20 =	vld.idx.msk [tilespmem:v37+s22+$0x0], $0xffff  }
0x1fe: {  	v11 =	vmul.f32 v22, v11;
	v2 =	vadd.f32 v2, v28;
	v21 =	vld.idx.msk [tilespmem:v36+s22+$0x0], $0xffff  }
0x1ff: {  	v15 =	vmul.f32 v24, v15;
	[tilespmem:s2+$0x8070] =	vst v13;
	v13 =	vld.idx.msk [tilespmem:v39+s22+$0x0], $0xffff  }
0x200: {  	v14 =	vmul.f32 v23, v14;
	v11 =	vadd.f32 v11, v30;
	[tilespmem:s0+$0x8010] =	vst v2;
	v2 =	vld.idx.msk [tilespmem:v34+s19+$0x0], $0xffff  }
0x201: {  	v16 =	vmul.f32 v26, v16;
	v15 =	vadd.f32 v15, v31;
	[tilespmem:s0+$0x8020] =	vst v3;
	v3 =	vld.idx.msk [tilespmem:v38+s19+$0x0], $0xffff  }
0x202: {  	[tilespmem:s0+$0x8030] =	vst v11;
	v14 =	vadd.f32 v14, v17;
	v11 =	vld.idx.msk [tilespmem:v35+s19+$0x0], $0xffff;
	v6 =	vmul.f32 v40, v6  }
0x203: {  	v16 =	vadd.f32 v16, v18;
	[tilespmem:s0+$0x8040] =	vst v15;
	v15 =	vld.idx.msk [tilespmem:v37+s19+$0x0], $0xffff;
	v7 =	vmul.f32 v41, v7  }
0x204: {  	[tilespmem:s0+$0x8050] =	vst v14;
	v14 =	vld.idx.msk [tilespmem:v36+s19+$0x0], $0xffff;
	v4 =	vadd.f32 v6, v4;
	v10 =	vmul.f32 v51, v10  }
0x205: {  	[tilespmem:s0+$0x8060] =	vst v16;
	v6 =	vld.idx.msk [tilespmem:v39+s19+$0x0], $0xffff;
	v12 =	vmul.f32 v19, v12;
	v2 =	vadd.f32 v7, v2  }
0x206: {  	v5 =	vmul.f32 v20, v5;
	[tilespmem:s2+$0x8000] =	vst v4;
	v3 =	vadd.f32 v10, v3  }
0x207: {  	v4 =	vmul.f32 v21, v8;
	v7 =	vadd.f32 v12, v11;
	[tilespmem:s2+$0x8010] =	vst v2  }
0x208: {  	v5 =	vadd.f32 v5, v15;
	v2 =	vmul.f32 v13, v9;
	[tilespmem:s2+$0x8020] =	vst v3  }
0x209: {  	v3 =	vadd.f32 v4, v14;
	[tilespmem:s2+$0x8030] =	vst v7  }
0x20a: {  	[tilespmem:s2+$0x8040] =	vst v5;
	v2 =	vadd.f32 v2, v6  }
0x20b: {  	[tilespmem:s2+$0x8050] =	vst v3  }
0x20c: {  	s12 =	simm.s32 $0x0;
	[tilespmem:s2+$0x8060] =	vst v2  }
0x20d: {  	[hbm4b:s15+s12] =	stream.linear.scatter [tilespmem:s23], [sflag:$0x3], $0x4000, $0x38;
	[tilespmem:$0x10080] =	vst v63  }
0x20e: {  	_ =	swait.ge [sflag:s24], $0x4000  }
0x20f: {  	[sflag:s24] =	ssyncset.done $0x0  }
0x210: {  	[sflag:s24] =	ssyncadd.s32 $0xFFFFC000  }
0x211: {  	_ =	swait.ge [sflag:s28], $0x4000  }
0x212: {  	s30 =	sand.u32 $0x3C00, s12;
	s0 =	sand.u32 $0x380, s12;
	[sflag:s28] =	ssyncset.done $0x0  }
0x213: {  	s0 =	sor.u32 s0, s30;
	[sflag:s28] =	ssyncadd.s32 $0xFFFFC000  }
0x214: {  	v8 =	vld [tilespmem:s0+$0x4070]  }
0x215: {  	v3 =	vld [tilespmem:s0+$0x4000]  }
0x216: {  	v2 =	vld [tilespmem:s0+$0x4010]  }
0x217: {  	v4 =	vld [tilespmem:s0+$0x4020]  }
0x218: {  	v11 =	vld [tilespmem:s0+$0x4030]  }
0x219: {  	v15 =	vld [tilespmem:s0+$0x4040]  }
0x21a: {  	v14 =	vld [tilespmem:s0+$0x4050]  }
0x21b: {  	v16 =	vld [tilespmem:s0+$0x4060]  }
0x21c: {  	v5 =	vmul.f32 v8, v0;
	v6 =	vmul.f32 v3, v0  }
0x21d: {  	v7 =	vmul.f32 v2, v0;
	v9 =	vmul.f32 v4, v0  }
0x21e: {  	v10 =	vmul.f32 v11, v0;
	v12 =	vmul.f32 v15, v0  }
0x21f: {  	v13 =	vmul.f32 v14, v0;
	v5 =	vadd.f32 v5, v1;
	v6 =	vadd.f32 v6, v1  }
0x220: {  	v17 =	vmul.f32 v16, v0;
	v7 =	vadd.f32 v7, v1;
	v9 =	vadd.f32 v9, v1  }
0x221: {  	s31 =	simm.s32 $0x8;
	s6 =	simm.s32 $0x400;
	v10 =	vadd.f32 v10, v1;
	v12 =	vadd.f32 v12, v1;
	v5 =	vmax.f32 v5, $0.0e+00  }
0x222: {  	s6 =	sand.u32 $0x3C00, s6;
	s2 =	sand.u32 $0x380, s31;
	v13 =	vadd.f32 v13, v1;
	v17 =	vadd.f32 v17, v1;
	v5 =	vmin.f32 v5, $1.700000000e+01  }
0x223: {  	s2 =	sor.u32 s2, s6;
	v6 =	vmax.f32 v6, $0.0e+00;
	v7 =	vmax.f32 v7, $0.0e+00;
	v5 =	vtrunc.f32 v5  }
0x224: {  	v9 =	vmax.f32 v9, $0.0e+00;
	v18 =	vmax.f32 v13, $0.0e+00;
	v13 =	vld [tilespmem:s2+$0x4070];
	v5 =	vcvt.f32.s32 v5  }
0x225: {  	v10 =	vmax.f32 v10, $0.0e+00;
	v12 =	vmax.f32 v12, $0.0e+00;
	v7 =	vmin.f32 v7, $1.700000000e+01  }
0x226: {  	v9 =	vmin.f32 v9, $1.700000000e+01;
	v21 =	vtrunc.f32 v7;
	v7 =	vmin.f32 v12, $1.700000000e+01  }
0x227: {  	v9 =	vtrunc.f32 v9;
	v12 =	vmin.f32 v18, $1.700000000e+01;
	v18 =	vtrunc.f32 v7;
	v7 =	vld [tilespmem:s2+$0x4010]  }
0x228: {  	v17 =	vmax.f32 v17, $0.0e+00;
	v22 =	vtrunc.f32 v12;
	v30 =	vcvt.f32.s32 v9;
	v12 =	vld [tilespmem:s2+$0x4030]  }
0x229: {  	v17 =	vmin.f32 v17, $1.700000000e+01;
	v9 =	vld [tilespmem:s2+$0x4060];
	v52 =	vcvt.f32.s32 v18;
	v23 =	vmul.f32 v13, v0  }
0x22a: {  	v6 =	vmin.f32 v6, $1.700000000e+01;
	v27 =	vcvt.f32.s32 v21;
	v21 =	vtrunc.f32 v17;
	v19 =	vld.idx.msk [tilespmem:v5+s22+$0x0], $0xffff  }
0x22b: {  	v17 =	vcvt.f32.s32 v22;
	v18 =	vcvt.f32.s32 v21;
	v23 =	vadd.f32 v23, v1;
	v20 =	vld.idx.msk [tilespmem:v5+s19+$0x0], $0xffff  }
0x22c: {  	v21 =	vmul.f32 v7, v0;
	v5 =	vmin.f32 v10, $1.700000000e+01;
	v10 =	vtrunc.f32 v6;
	v6 =	vld [tilespmem:s2+$0x4000]  }
0x22d: {  	v24 =	vmul.f32 v12, v0;
	v25 =	vcvt.f32.s32 v10;
	v10 =	vld [tilespmem:s2+$0x4020]  }
0x22e: {  	v23 =	vmax.f32 v23, $0.0e+00;
	v28 =	vadd.f32 v21, v1;
	v21 =	vld.idx.msk [tilespmem:v30+s22+$0x0], $0xffff  }
0x22f: {  	v5 =	vtrunc.f32 v5;
	v23 =	vmin.f32 v23, $1.700000000e+01;
	v55 =	vadd.f32 v24, v1;
	v24 =	vld.idx.msk [tilespmem:v52+s22+$0x0], $0xffff  }
0x230: {  	v31 =	vcvt.f32.s32 v5;
	v5 =	vld [tilespmem:s2+$0x4040];
	v23 =	vtrunc.f32 v23  }
0x231: {  	v57 =	vcvt.f32.s32 v23;
	v23 =	vld.idx.msk [tilespmem:v17+s22+$0x0], $0xffff  }
0x232: {  	v58 =	vmul.f32 v9, v0;
	v28 =	vmax.f32 v28, $0.0e+00;
	v19 =	vmul.f32 v19, v8;
	v8 =	vld [tilespmem:s2+$0x4050]  }
0x233: {  	v62 =	vmin.f32 v28, $1.700000000e+01;
	v28 =	vld.idx.msk [tilespmem:v27+s19+$0x0], $0xffff;
	v22 =	vmul.f32 v6, v0  }
0x234: {  	v35 =	vadd.f32 v58, v1;
	v33 =	vmax.f32 v55, $0.0e+00;
	v53 =	vadd.f32 v19, v20;
	v19 =	vld.idx.msk [tilespmem:v25+s22+$0x0], $0xffff  }
0x235: {  	v33 =	vmin.f32 v33, $1.700000000e+01;
	v26 =	vadd.f32 v22, v1;
	v22 =	vmul.f32 v10, v0;
	v20 =	vld.idx.msk [tilespmem:v27+s22+$0x0], $0xffff  }
0x236: {  	v42 =	vmax.f32 v35, $0.0e+00;
	v35 =	vtrunc.f32 v33;
	v54 =	vmul.f32 v5, v0;
	v27 =	vld.idx.msk [tilespmem:v30+s19+$0x0], $0xffff  }
0x237: {  	v30 =	vld.idx.msk [tilespmem:v31+s19+$0x0], $0xffff;
	v29 =	vadd.f32 v22, v1;
	v59 =	vmax.f32 v26, $0.0e+00;
	v56 =	vmul.f32 v8, v0  }
0x238: {  	v22 =	vld.idx.msk [tilespmem:v31+s22+$0x0], $0xffff;
	v32 =	vadd.f32 v54, v1;
	v31 =	vmin.f32 v42, $1.700000000e+01;
	v36 =	vmin.f32 v59, $1.700000000e+01  }
0x239: {  	v26 =	vld.idx.msk [tilespmem:v18+s22+$0x0], $0xffff;
	v39 =	vtrunc.f32 v31;
	v60 =	vmax.f32 v29, $0.0e+00;
	v34 =	vadd.f32 v56, v1  }
0x23a: {  	v29 =	vld.idx.msk [tilespmem:v25+s19+$0x0], $0xffff;
	v25 =	vmax.f32 v32, $0.0e+00;
	v43 =	vtrunc.f32 v36;
	v37 =	vmin.f32 v60, $1.700000000e+01  }
0x23b: {  	v32 =	vld.idx.msk [tilespmem:v57+s22+$0x0], $0xffff;
	v25 =	vmin.f32 v25, $1.700000000e+01;
	v38 =	vtrunc.f32 v37;
	v61 =	vmax.f32 v34, $0.0e+00  }
0x23c: {  	v33 =	vld.idx.msk [tilespmem:v57+s19+$0x0], $0xffff;
	v37 =	vtrunc.f32 v25;
	v25 =	vcvt.f32.s32 v43;
	v63 =	vmin.f32 v61, $1.700000000e+01  }
0x23d: {  	s8 =	simm.s32 $0x10;
	s10 =	simm.s32 $0x800;
	s6 =	simm.s32 $0x80;
	[tilespmem:s0+$0xC070] =	vst v53;
	v31 =	vld.idx.msk [tilespmem:v52+s19+$0x0], $0xffff;
	v34 =	vtrunc.f32 v62;
	v36 =	vtrunc.f32 v63  }
.LBB2_14:
0x23e: {  	s11 =	sand.u32 $0x3C00, s10;
	s12 =	sand.u32 $0x380, s8;
	s6 =	sadd.s32 $0x80, s6;
	v34 =	vcvt.f32.s32 v34;
	v38 =	vcvt.f32.s32 v38;
	v40 =	vld.idx.msk [tilespmem:v17+s19+$0x0], $0xffff  }
0x23f: {  	v41 =	vcvt.f32.s32 v35;
	v42 =	vcvt.f32.s32 v37;
	s11 =	sor.u32 s12, s11;
	p0 =	slt.u32 s6, $0x3F80;
	v35 =	vld.idx.msk [tilespmem:v18+s19+$0x0], $0xffff  }
0x240: {  	v17 =	vcvt.f32.s32 v36;
	v32 =	vmul.f32 v32, v13;
	v13 =	vld [tilespmem:s11+$0x4070]  }
0x241: {  	v19 =	vmul.f32 v19, v3;
	v3 =	vmov v6;
	v18 =	vcvt.f32.s32 v39;
	v6 =	vld [tilespmem:s11+$0x4000]  }
0x242: {  	v20 =	vmul.f32 v20, v2;
	v21 =	vmul.f32 v21, v4;
	v2 =	vmovc v7;
	v32 =	vadd.f32 v32, v33;
	v7 =	vld [tilespmem:s11+$0x4010]  }
0x243: {  	v11 =	vmul.f32 v22, v11;
	v15 =	vmul.f32 v24, v15;
	v4 =	vmovc v10;
	v19 =	vadd.f32 v19, v29;
	v10 =	vld [tilespmem:s11+$0x4020]  }
0x244: {  	v14 =	vmul.f32 v23, v14;
	v16 =	vmul.f32 v26, v16;
	v20 =	vadd.f32 v20, v28;
	v29 =	vld [tilespmem:s11+$0x4030];
	[tilespmem:s2+$0xC070] =	vst v32  }
0x245: {  	v24 =	vadd.f32 v11, v30;
	v26 =	vld [tilespmem:s11+$0x4040];
	v22 =	vmul.f32 v13, v0;
	[tilespmem:s0+$0xC000] =	vst v19;
	v19 =	vadd.f32 v21, v27  }
0x246: {  	v15 =	vadd.f32 v15, v31;
	v14 =	vadd.f32 v14, v40;
	v21 =	vmul.f32 v6, v0;
	v27 =	vld [tilespmem:s11+$0x4050];
	[tilespmem:s0+$0xC010] =	vst v20  }
0x247: {  	v16 =	vadd.f32 v16, v35;
	v20 =	vmul.f32 v7, v0;
	v28 =	vld [tilespmem:s11+$0x4060];
	v22 =	vadd.f32 v22, v1;
	[tilespmem:s0+$0xC020] =	vst v19  }
0x248: {  	v11 =	vmov v12;
	v23 =	vadd.f32 v21, v1;
	v21 =	vmul.f32 v10, v0;
	v19 =	vld.idx.msk [tilespmem:v25+s22+$0x0], $0xffff;
	[tilespmem:s0+$0xC030] =	vst v24  }
0x249: {  	v30 =	vadd.f32 v20, v1;
	v43 =	vmul.f32 v29, v0;
	v22 =	vmax.f32 v22, $0.0e+00;
	v20 =	vld.idx.msk [tilespmem:v34+s22+$0x0], $0xffff;
	[tilespmem:s0+$0xC040] =	vst v15  }
0x24a: {  	v31 =	vadd.f32 v21, v1;
	v36 =	vmul.f32 v26, v0;
	v22 =	vmin.f32 v22, $1.700000000e+01;
	v21 =	vld.idx.msk [tilespmem:v38+s22+$0x0], $0xffff;
	[tilespmem:s0+$0xC050] =	vst v14  }
0x24b: {  	v37 =	vadd.f32 v43, v1;
	v32 =	vmul.f32 v27, v0;
	v35 =	vtrunc.f32 v22;
	v22 =	vld.idx.msk [tilespmem:v41+s22+$0x0], $0xffff;
	[tilespmem:s0+$0xC060] =	vst v16;
	s0 =	smov.u32 s2;
	s2 =	smov.u32 s11  }
0x24c: {  	v12 =	vmovc v29;
	v40 =	vadd.f32 v36, v1;
	v33 =	vmul.f32 v28, v0;
	v39 =	vcvt.f32.s32 v35;
	v24 =	vld.idx.msk [tilespmem:v42+s22+$0x0], $0xffff  }
0x24d: {  	v15 =	vmovc v5;
	v29 =	vmax.f32 v23, $0.0e+00;
	v5 =	vmovc v26;
	v30 =	vmax.f32 v30, $0.0e+00;
	v32 =	vadd.f32 v32, v1;
	v23 =	vld.idx.msk [tilespmem:v17+s22+$0x0], $0xffff  }
0x24e: {  	v14 =	vmovc v8;
	v8 =	vmovc v27;
	v31 =	vmax.f32 v31, $0.0e+00;
	v35 =	vmax.f32 v37, $0.0e+00;
	v33 =	vadd.f32 v33, v1;
	v26 =	vld.idx.msk [tilespmem:v18+s22+$0x0], $0xffff  }
0x24f: {  	v16 =	vmovc v9;
	v36 =	vmin.f32 v29, $1.700000000e+01;
	v9 =	vmovc v28;
	v27 =	vmax.f32 v40, $0.0e+00;
	v32 =	vmax.f32 v32, $0.0e+00;
	v29 =	vld.idx.msk [tilespmem:v25+s19+$0x0], $0xffff  }
0x250: {  	v25 =	vmin.f32 v30, $1.700000000e+01;
	v30 =	vmin.f32 v31, $1.700000000e+01;
	v31 =	vmax.f32 v33, $0.0e+00;
	v28 =	vld.idx.msk [tilespmem:v34+s19+$0x0], $0xffff  }
.Ltmp6:
0x251: {  	v37 =	vmin.f32 v27, $1.700000000e+01;
	v33 =	vmin.f32 v35, $1.700000000e+01;
	v40 =	vmin.f32 v32, $1.700000000e+01;
	v27 =	vld.idx.msk [tilespmem:v38+s19+$0x0], $0xffff;
	(pc) =	sbr.rel @p0 .LBB2_14-.Ltmp6, $4  }
0x252: {  	v43 =	vtrunc.f32 v36;
	v34 =	vtrunc.f32 v25;
	v31 =	vmin.f32 v31, $1.700000000e+01;
	v32 =	vld.idx.msk [tilespmem:v39+s22+$0x0], $0xffff  }
0x253: {  	v38 =	vtrunc.f32 v30;
	v35 =	vtrunc.f32 v33;
	v30 =	vld.idx.msk [tilespmem:v41+s19+$0x0], $0xffff  }
0x254: {  	v37 =	vtrunc.f32 v37;
	v36 =	vtrunc.f32 v40;
	v33 =	vld.idx.msk [tilespmem:v39+s19+$0x0], $0xffff  }
0x255: {  	s8 =	sadd.s32 $0x8, s8;
	s10 =	sadd.s32 $0x400, s10;
	v25 =	vcvt.f32.s32 v43;
	v39 =	vtrunc.f32 v31;
	v31 =	vld.idx.msk [tilespmem:v42+s19+$0x0], $0xffff  }
0x256: {  	_ =	sdelay $0x1  }
0x257: {  	v0 =	vcvt.f32.s32 v34  }
0x258: {  	v1 =	vcvt.f32.s32 v38  }
0x259: {  	v42 =	vcvt.f32.s32 v35;
	v17 =	vld.idx.msk [tilespmem:v17+s19+$0x0], $0xffff  }
0x25a: {  	v43 =	vcvt.f32.s32 v37;
	v18 =	vld.idx.msk [tilespmem:v18+s19+$0x0], $0xffff  }
0x25b: {  	v36 =	vcvt.f32.s32 v36;
	v45 =	vld.idx.msk [tilespmem:v25+s22+$0x0], $0xffff  }
0x25c: {  	v44 =	vcvt.f32.s32 v39;
	v53 =	vld.idx.msk [tilespmem:v25+s19+$0x0], $0xffff  }
0x25d: {  	v3 =	vmul.f32 v19, v3;
	v46 =	vld.idx.msk [tilespmem:v0+s22+$0x0], $0xffff  }
0x25e: {  	v2 =	vmul.f32 v20, v2;
	v47 =	vld.idx.msk [tilespmem:v1+s22+$0x0], $0xffff  }
0x25f: {  	v4 =	vmul.f32 v21, v4;
	v3 =	vadd.f32 v3, v29;
	v48 =	vld.idx.msk [tilespmem:v42+s22+$0x0], $0xffff  }
0x260: {  	v11 =	vmul.f32 v22, v11;
	v2 =	vadd.f32 v2, v28;
	v49 =	vld.idx.msk [tilespmem:v43+s22+$0x0], $0xffff  }
0x261: {  	v13 =	vmul.f32 v32, v13;
	v52 =	vadd.f32 v4, v27;
	[tilespmem:s0+$0xC000] =	vst v3;
	v50 =	vld.idx.msk [tilespmem:v36+s22+$0x0], $0xffff  }
0x262: {  	v15 =	vmul.f32 v24, v15;
	v11 =	vadd.f32 v11, v30;
	[tilespmem:s0+$0xC010] =	vst v2;
	v51 =	vld.idx.msk [tilespmem:v44+s22+$0x0], $0xffff  }
0x263: {  	v14 =	vmul.f32 v23, v14;
	v13 =	vadd.f32 v13, v33;
	[tilespmem:s0+$0xC020] =	vst v52;
	v0 =	vld.idx.msk [tilespmem:v0+s19+$0x0], $0xffff  }
0x264: {  	v54 =	vmul.f32 v26, v16;
	v15 =	vadd.f32 v15, v31;
	[tilespmem:s0+$0xC030] =	vst v11;
	v1 =	vld.idx.msk [tilespmem:v1+s19+$0x0], $0xffff  }
0x265: {  	[tilespmem:s2+$0xC070] =	vst v13;
	v55 =	vadd.f32 v14, v17;
	v56 =	vld.idx.msk [tilespmem:v42+s19+$0x0], $0xffff;
	v6 =	vmul.f32 v45, v6  }
0x266: {  	v2 =	vadd.f32 v54, v18;
	[tilespmem:s0+$0xC040] =	vst v15;
	v57 =	vld.idx.msk [tilespmem:v43+s19+$0x0], $0xffff;
	v7 =	vmul.f32 v46, v7  }
0x267: {  	v58 =	vld.idx.msk [tilespmem:v36+s19+$0x0], $0xffff;
	[tilespmem:s0+$0xC050] =	vst v55;
	v4 =	vadd.f32 v6, v53;
	v10 =	vmul.f32 v47, v10  }
0x268: {  	v59 =	vld.idx.msk [tilespmem:v44+s19+$0x0], $0xffff;
	[tilespmem:s0+$0xC060] =	vst v2;
	v60 =	vmul.f32 v48, v12;
	v0 =	vadd.f32 v7, v0  }
0x269: {  	[tilespmem:s2+$0xC000] =	vst v4;
	v5 =	vmul.f32 v49, v5;
	v1 =	vadd.f32 v10, v1  }
0x26a: {  	v61 =	vmul.f32 v50, v8;
	v6 =	vadd.f32 v60, v56;
	[tilespmem:s2+$0xC010] =	vst v0  }
0x26b: {  	v62 =	vmul.f32 v51, v9;
	v5 =	vadd.f32 v5, v57;
	[tilespmem:s2+$0xC020] =	vst v1  }
0x26c: {  	v63 =	vadd.f32 v61, v58;
	[tilespmem:s2+$0xC030] =	vst v6  }
0x26d: {  	v0 =	vadd.f32 v62, v59;
	[tilespmem:s2+$0xC040] =	vst v5  }
0x26e: {  	[tilespmem:s2+$0xC050] =	vst v63  }
0x26f: {  	s29 =	sadd.s32 $0x1, s29;
	[tilespmem:s2+$0xC060] =	vst v0  }
0x270: {  	[hbm4b:s16+s4] =	stream.linear.scatter [tilespmem:s25], [sflag:$0x4], $0x4000, $0x38;
	[tilespmem:$0x10080] =	vst v63  }
0x271: {  	p0 =	sne.s32 s29, s17;
	_ =	swait.ge [sflag:s26], $0x4000  }
.Ltmp7:
0x272: {  	[sflag:s26] =	ssyncset.done $0x0;
	(pc) =	sbr.rel @p0 .LBB2_1-.Ltmp7, $4  }
0x273: {  	[sflag:s26] =	ssyncadd.s32 $0xFFFFC000  }
0x274: {  	_ =	swait.ge [sflag:s28], $0x4000  }
0x275: {  	[sflag:s28] =	ssyncset.done $0x0  }
0x276: {  	[sflag:s28] =	ssyncadd.s32 $0xFFFFC000  }
0x277: {  	_ =	sfence.sel $0x180000  }
0x278: {  	[bflag:$0x0] =	sbarrier.arrive $0xFFFF  }
0x279: {  	_ =	strace $0x90000047  }
0x27a: {  	s0 =	stileid.u32;
	[bflag:$0x2] =	sbarrier.arrive $0xFFFF  }
0x27b: {  	p0 =	sne.s32 s0, $0x0;
	s0 =	rddreg [dreg:$0x3]  }
0x27c: {  	s0 =	sadd.s32 @!p0 $0x100000, s0  }
0x27d: {  	[sflag:s0] =	ssyncadd.tile.s32 @!p0 $0x1;
	_ =	shalt  }
.Lfunc_end2:
_tile_overlayer_lowered:
.L_overlay_start_2:
0x27e: {  	(tag) =	ssettag $0x2  }
0x27f: {  	s0 =	rddreg [dreg:$0x0];
	s2 =	stileid.u32  }
0x280: {  	s1 =	rddreg [dreg:$0x1];
	p0 =	sne.s32 s2, $0x0  }
0x281: {  	s3 =	rddreg [dreg:$0x2];
	[bflag:$0x3] =	sbarrier.arrive $0xFFFF;
	s2 =	simm.s32 @!p0 $0x1C05  }
0x282: {  	[timem:s3], [sflag:s2] =	dma.local @!p0 [hbm:s0], s1  }
0x283: {  	s0 =	simm.s32 @!p0 $0x5  }
0x284: {  	_ =	swait.ge @!p0 [sflag:s0], s1  }
0x285: {  	s1 =	ssub.s32 @!p0 $0x0, s1;
	[sflag:s0] =	ssyncset.done @!p0 $0x0  }
0x286: {  	[sflag:s0] =	ssyncadd.s32 @!p0 s1  }
0x287: {  	[bflag:$0x3] =	sbarrier.arrive $0xFFFF  }
0x288: {  	_ =	shalt  }

</sc_bundles>
